<compile_context>
chip_gen: v7x
topology: tpu7x:2x2x1
jax: 0.10.2.dev20260603
libtpu: 0.0.44.dev20260713+nightly
codegen_flags: <defaults>
</compile_context>

<pallas_src>
import functools

import jax
import jax.numpy as jnp
from jax import lax
from jax.experimental import pallas as pl
from jax.experimental.pallas import tpu as pltpu
from jax.experimental.pallas import tpu_sc as plsc

N_NODES = 10000
N_EDGES = 320000
HDIM = 128

NC = 2
NS = 16
LANES = 16
CHUNK = 128
NBUF = 2
NCHUNKS = 80
EDGES_PAD = NC * NS * NCHUNKS * CHUNK
ACC_ROWS = 10112
ZROWS = ACC_ROWS // NS


def _sc_segment_sum(h, packed, zeros):
    mesh = plsc.VectorSubcoreMesh(core_axis_name="c", subcore_axis_name="s")

    @functools.partial(
        pl.kernel,
        out_type=jax.ShapeDtypeStruct((NC, ACC_ROWS, HDIM), jnp.float32),
        mesh=mesh,
        scratch_types=[
            pltpu.VMEM((NCHUNKS, CHUNK), jnp.int32),
            pltpu.VMEM((NBUF, CHUNK), jnp.int32),
            pltpu.VMEM((NBUF, CHUNK), jnp.int32),
            pltpu.VMEM((NBUF, CHUNK, HDIM), jnp.float32),
            pltpu.VMEM_SHARED((ACC_ROWS, HDIM), jnp.float32),
            pltpu.SemaphoreType.DMA((NBUF,)),
        ],
    )
    def k(h_hbm, pk_hbm, zero_hbm, out_hbm, pk_v, sidx, didx, rows_v, acc, gsem):
        cid = lax.axis_index("c")
        sid = lax.axis_index("s")

        pltpu.sync_copy(zero_hbm.at[pl.ds(sid * ZROWS, ZROWS)],
                        acc.at[pl.ds(sid * ZROWS, ZROWS)])
        pltpu.sync_copy(pk_hbm.at[cid, sid], pk_v)
        plsc.subcore_barrier()

        def unpack(j, b):
            for kk in range(CHUNK // LANES):
                pk = pk_v[j, pl.ds(kk * LANES, LANES)]
                sidx[b, pl.ds(kk * LANES, LANES)] = lax.bitwise_and(pk, 0xFFFF)
                didx[b, pl.ds(kk * LANES, LANES)] = lax.shift_right_logical(pk, 16)

        for b in range(NBUF):
            unpack(b, b)
            pltpu.async_copy(h_hbm.at[sidx.at[b]], rows_v.at[b], gsem.at[b])

        def body(g, carry):
            for b in range(NBUF):
                j = g * NBUF + b
                pltpu.make_async_copy(h_hbm.at[sidx.at[b]], rows_v.at[b],
                                      gsem.at[b]).wait()
                pltpu.sync_copy(rows_v.at[b], acc.at[didx.at[b]], add=True)

                @pl.when(g < NCHUNKS // NBUF - 1)
                def _():
                    unpack(j + NBUF, b)
                    pltpu.async_copy(h_hbm.at[sidx.at[b]], rows_v.at[b],
                                     gsem.at[b])
            return carry

        lax.fori_loop(0, NCHUNKS // NBUF, body, 0, unroll=False)

        plsc.subcore_barrier()
        pltpu.sync_copy(acc.at[pl.ds(sid * ZROWS, ZROWS)],
                        out_hbm.at[cid, pl.ds(sid * ZROWS, ZROWS)])

    return k(h, packed, zeros)


def _xwb_body(x_ref, m_ref, w_ref, b_ref, o_ref):
    h_in = jnp.dot(x_ref[...], w_ref[...], preferred_element_type=jnp.float32)
    o_ref[...] = (h_in + b_ref[...]) * m_ref[...]


def _xwb_stage(x, mask2d, W_in, b2d):
    R = 1000
    return pl.pallas_call(
        _xwb_body,
        grid=(N_NODES // R,),
        in_specs=[
            pl.BlockSpec((R, HDIM), lambda i: (i, 0)),
            pl.BlockSpec((R, 1), lambda i: (i, 0)),
            pl.BlockSpec((HDIM, HDIM), lambda i: (0, 0)),
            pl.BlockSpec((1, HDIM), lambda i: (0, 0)),
        ],
        out_specs=pl.BlockSpec((R, HDIM), lambda i: (i, 0)),
        out_shape=jax.ShapeDtypeStruct((N_NODES, HDIM), jnp.float32),
    )(x, mask2d, W_in, b2d)


def _dense_body(xwb_ref, p0_ref, p1_ref, u_ref, o_ref):
    hsum = p0_ref[...] + p1_ref[...]
    h_aggr = jnp.dot(hsum, u_ref[...], preferred_element_type=jnp.float32)
    o_ref[...] = jnp.tanh(xwb_ref[...] + h_aggr)


def _dense_stage(xwb, p0, p1, U):
    R = 1000
    grid = (N_NODES // R,)
    return pl.pallas_call(
        _dense_body,
        grid=grid,
        in_specs=[
            pl.BlockSpec((R, HDIM), lambda i: (i, 0)),
            pl.BlockSpec((R, HDIM), lambda i: (i, 0)),
            pl.BlockSpec((R, HDIM), lambda i: (i, 0)),
            pl.BlockSpec((HDIM, HDIM), lambda i: (0, 0)),
        ],
        out_specs=pl.BlockSpec((R, HDIM), lambda i: (i, 0)),
        out_shape=jax.ShapeDtypeStruct((N_NODES, HDIM), jnp.float32),
    )(xwb, p0, p1, U)


def kernel(x, x_mask, h, edge_index, W_in, b_in, U):
    src = edge_index[0].astype(jnp.int32)
    dst = edge_index[1].astype(jnp.int32)
    pad = EDGES_PAD - N_EDGES
    p = jnp.arange(pad)
    src = jnp.concatenate([src, (p % N_NODES).astype(jnp.int32)])
    dst = jnp.concatenate([dst, (N_NODES + p % (ACC_ROWS - N_NODES)
                                 ).astype(jnp.int32)])
    packed = src | (dst << 16)
    packed = packed.reshape(NC, NS, NCHUNKS, CHUNK)
    zeros = jnp.zeros((ACC_ROWS, HDIM), jnp.float32)

    partials = _sc_segment_sum(h, packed, zeros)

    mask2d = x_mask.reshape(N_NODES, 1)
    b2d = b_in.reshape(1, HDIM)
    xwb = _xwb_stage(x, mask2d, W_in, b2d)
    return _dense_stage(xwb, partials[0, :N_NODES], partials[1, :N_NODES], U)

# --- scband reference (transcript-rebuilt; emitter-appended) ---
"""Pipeline reference for scband-tree-rnncell-88210038325569 (READ-ONLY COPY).

The authoritative reference and input builder live on the scoring server;
editing this copy changes nothing except your own understanding.
"""

import jax, jax.numpy as jnp
import numpy as np

N = 10000
E = 320000
X_SIZE = 128
H_SIZE = 128


def setup_inputs(seed: int = 0) -> dict:
    key = jax.random.key(seed)
    ks = jax.random.split(key, 8)
    x = jax.random.normal(ks[0], (N, X_SIZE), dtype=jnp.float32)
    x_mask = jnp.ones((N,), dtype=jnp.float32)
    h = jax.random.normal(ks[1], (N, H_SIZE), dtype=jnp.float32)
    edge_index = jax.random.randint(ks[2], (2, E), 0, N, dtype=jnp.int64)
    # learned parameters
    W_in = jax.random.normal(ks[3], (X_SIZE, H_SIZE), dtype=jnp.float32) * 0.02
    b_in = jnp.zeros((H_SIZE,), dtype=jnp.float32)
    U = jax.random.normal(ks[4], (H_SIZE, H_SIZE), dtype=jnp.float32) * 0.02
    return {"x": x, "x_mask": x_mask, "h": h, "edge_index": edge_index,
            "W_in": W_in, "b_in": b_in, "U": U}


def reference(x, x_mask, h, edge_index, W_in, b_in, U):
    # message_func: gather children hidden states along edges (src -> dst)
    src = edge_index[0]
    dst = edge_index[1]
    msgs = jnp.take(h, src, axis=0)                       # gather  [E, H]
    # reduce_func: sum-aggregate incoming messages per destination node,
    # then aggregator linear transform (sum aggregator with projection)
    h_sum = jax.ops.segment_sum(msgs, dst, num_segments=x.shape[0])  # scatter-add [N, H]
    h_aggr = h_sum @ U                                    # aggregator_module
    # apply_node_func: h = tanh(input_module(x) * x_mask + h_aggr)
    h_in = (x @ W_in + b_in) * x_mask[:, None]
    h_new = jnp.tanh(h_in + h_aggr)
    return h_new

if __name__ == "__main__":
    import jax
    _d = setup_inputs()
    print(jax.jit(kernel)(*tuple(_d.values())))

</pallas_src>

<mosaic_0001>
#map = affine_map<(d0, d1) -> (0, 0)>
#map1 = affine_map<(d0, d1) -> (0, 0, 0, 0)>
#map2 = affine_map<(d0, d1) -> (0, 0, 0)>
module attributes {stable_mosaic.version = 14 : i64} {
  func.func @k(%arg0: i32, %arg1: i32, %arg2: memref<10000x128xf32, #tpu.memory_space<hbm>>, %arg3: memref<2x16x80x128xi32, #tpu.memory_space<hbm>>, %arg4: memref<10112x128xf32, #tpu.memory_space<hbm>>, %arg5: memref<2x10112x128xf32, #tpu.memory_space<hbm>>, %arg6: memref<80x128xi32, #tpu.memory_space<vmem>>, %arg7: memref<2x128xi32, #tpu.memory_space<vmem>>, %arg8: memref<2x128xi32, #tpu.memory_space<vmem>>, %arg9: memref<2x128x128xf32, #tpu.memory_space<vmem>>, %arg10: memref<10112x128xf32, #tpu.memory_space<vmem_shared>>, %arg11: memref<2x!tpu.dma_semaphore, #tpu.memory_space<semaphore_mem>>) attributes {dimension_semantics = [#tpu.dimension_semantics<core_parallel>, #tpu.dimension_semantics<subcore_parallel>], iteration_bounds = array<i64: 2, 16>, scalar_prefetch = 0 : i64, scratch_operands = 6 : i64, tpu.core_type = #tpu.core_type<sc_vector_subcore>, window_params = [{transform_indices = #map}, {transform_indices = #map1}, {transform_indices = #map}, {transform_indices = #map2}]} {
    %mul3A = arith.constant 632 : i32
    %mul3A_0 = arith.muli %arg1, %mul3A : i32
    %mul3A_1 = arith.constant 632 : i32
    %mul3A_2 = arith.muli %arg1, %mul3A_1 : i32
    "tpu.region"() ({
      %run_scoped3A = tpu.sem_alloc : memref<!tpu.dma_semaphore, #tpu.memory_space<semaphore_mem>>
      %dma_start3A_406 = arith.constant 0 : i32
      %dma_start3A_407 = tpu.memref_slice %arg10[%mul3A_2, %dma_start3A_406] : memref<10112x128xf32, #tpu.memory_space<vmem_shared>> -> memref<632x128xf32, #tpu.memory_space<vmem_shared>>
      %dma_start3A_408 = arith.constant 0 : i32
      %dma_start3A_409 = tpu.memref_slice %arg4[%mul3A_0, %dma_start3A_408] : memref<10112x128xf32, #tpu.memory_space<hbm>> -> memref<632x128xf32, #tpu.memory_space<hbm>>
      tpu.enqueue_dma source(%dma_start3A_409 : memref<632x128xf32, #tpu.memory_space<hbm>>) target(%dma_start3A_407 : memref<632x128xf32, #tpu.memory_space<vmem_shared>>) target_semaphore(%run_scoped3A : memref<!tpu.dma_semaphore, #tpu.memory_space<semaphore_mem>>)
      %dma_wait3A = arith.constant 0 : i32
      %dma_wait3A_410 = tpu.memref_slice %arg10[%mul3A_2, %dma_wait3A] : memref<10112x128xf32, #tpu.memory_space<vmem_shared>> -> memref<632x128xf32, #tpu.memory_space<vmem_shared>>
      %dma_wait3A_411 = arith.constant 0 : i32
      %dma_wait3A_412 = tpu.memref_slice %arg4[%mul3A_0, %dma_wait3A_411] : memref<10112x128xf32, #tpu.memory_space<hbm>> -> memref<632x128xf32, #tpu.memory_space<hbm>>
      tpu.wait_dma2 semaphore(%run_scoped3A : memref<!tpu.dma_semaphore, #tpu.memory_space<semaphore_mem>>) src(%dma_wait3A_412 : memref<632x128xf32, #tpu.memory_space<hbm>>) dst(%dma_wait3A_410 : memref<632x128xf32, #tpu.memory_space<vmem_shared>>)
      tpu.yield
    }) : () -> ()
    "tpu.region"() ({
      %run_scoped3A = tpu.sem_alloc : memref<!tpu.dma_semaphore, #tpu.memory_space<semaphore_mem>>
      %dma_start3A_406 = arith.constant 0 : i32
      %dma_start3A_407 = arith.constant 0 : i32
      %dma_start3A_408 = tpu.memref_slice %arg3[%arg0, %arg1, %dma_start3A_406, %dma_start3A_407] : memref<2x16x80x128xi32, #tpu.memory_space<hbm>> -> memref<1x1x80x128xi32, #tpu.memory_space<hbm>>
      %dma_start3A_409 = tpu.memref_squeeze %dma_start3A_408 : memref<1x1x80x128xi32, #tpu.memory_space<hbm>> -> memref<80x128xi32, #tpu.memory_space<hbm>>
      %dma_start3A_410 = arith.constant 0 : i32
      %dma_start3A_411 = arith.constant 0 : i32
      %dma_start3A_412 = tpu.memref_slice %arg3[%arg0, %arg1, %dma_start3A_410, %dma_start3A_411] : memref<2x16x80x128xi32, #tpu.memory_space<hbm>> -> memref<1x1x80x128xi32, #tpu.memory_space<hbm>>
      %dma_start3A_413 = tpu.memref_squeeze %dma_start3A_412 : memref<1x1x80x128xi32, #tpu.memory_space<hbm>> -> memref<80x128xi32, #tpu.memory_space<hbm>>
      tpu.enqueue_dma source(%dma_start3A_413 : memref<80x128xi32, #tpu.memory_space<hbm>>) target(%arg6 : memref<80x128xi32, #tpu.memory_space<vmem>>) target_semaphore(%run_scoped3A : memref<!tpu.dma_semaphore, #tpu.memory_space<semaphore_mem>>)
      %dma_wait3A = arith.constant 0 : i32
      %dma_wait3A_414 = arith.constant 0 : i32
      %dma_wait3A_415 = tpu.memref_slice %arg3[%arg0, %arg1, %dma_wait3A, %dma_wait3A_414] : memref<2x16x80x128xi32, #tpu.memory_space<hbm>> -> memref<1x1x80x128xi32, #tpu.memory_space<hbm>>
      %dma_wait3A_416 = tpu.memref_squeeze %dma_wait3A_415 : memref<1x1x80x128xi32, #tpu.memory_space<hbm>> -> memref<80x128xi32, #tpu.memory_space<hbm>>
      %dma_wait3A_417 = arith.constant 0 : i32
      %dma_wait3A_418 = arith.constant 0 : i32
      %dma_wait3A_419 = tpu.memref_slice %arg3[%arg0, %arg1, %dma_wait3A_417, %dma_wait3A_418] : memref<2x16x80x128xi32, #tpu.memory_space<hbm>> -> memref<1x1x80x128xi32, #tpu.memory_space<hbm>>
      %dma_wait3A_420 = tpu.memref_squeeze %dma_wait3A_419 : memref<1x1x80x128xi32, #tpu.memory_space<hbm>> -> memref<80x128xi32, #tpu.memory_space<hbm>>
      tpu.wait_dma2 semaphore(%run_scoped3A : memref<!tpu.dma_semaphore, #tpu.memory_space<semaphore_mem>>) src(%dma_wait3A_420 : memref<80x128xi32, #tpu.memory_space<hbm>>) dst(%arg6 : memref<80x128xi32, #tpu.memory_space<vmem>>)
      tpu.yield
    }) : () -> ()
    %barrier3A = arith.constant 0 : index
    tpu.barrier barrier_id(%barrier3A)
    %get3A = arith.constant 0 : i32
    %get3A_3 = arith.index_cast %get3A : i32 to index
    %get3A_4 = arith.constant 0 : index
    %get3A_5 = tpu.vector_load %arg6[%get3A_3, %get3A_4] {strides = array<i32>} : memref<80x128xi32, #tpu.memory_space<vmem>>, vector<1x16xi32>,
    %get3A_6 = vector.shape_cast %get3A_5 : vector<1x16xi32> to vector<16xi32>
    %and3A = arith.constant 65535 : i32
    %and3A_7 = vector.broadcast %and3A : i32 to vector<16xi32>
    %and3A_8 = arith.andi %get3A_6, %and3A_7 : vector<16xi32>
    %swap3A = arith.constant 0 : i32
    %swap3A_9 = arith.index_cast %swap3A : i32 to index
    %swap3A_10 = arith.constant 0 : index
    %swap3A_11 = tpu.vector_load %arg7[%swap3A_9, %swap3A_10] {strides = array<i32>} : memref<2x128xi32, #tpu.memory_space<vmem>>, vector<1x16xi32>,
    %swap3A_12 = vector.shape_cast %swap3A_11 : vector<1x16xi32> to vector<16xi32>
    %swap3A_13 = vector.shape_cast %and3A_8 : vector<16xi32> to vector<1x16xi32>
    tpu.vector_store %arg7[%swap3A_9, %swap3A_10], %swap3A_13 {strides = array<i32>} : memref<2x128xi32, #tpu.memory_space<vmem>>, vector<1x16xi32>,
    %shift_right_logical3A = arith.constant 16 : i32
    %shift_right_logical3A_14 = vector.broadcast %shift_right_logical3A : i32 to vector<16xi32>
    %shift_right_logical3A_15 = arith.shrui %get3A_6, %shift_right_logical3A_14 : vector<16xi32>
    %swap3A_16 = arith.constant 0 : i32
    %swap3A_17 = arith.index_cast %swap3A_16 : i32 to index
    %swap3A_18 = arith.constant 0 : index
    %swap3A_19 = tpu.vector_load %arg8[%swap3A_17, %swap3A_18] {strides = array<i32>} : memref<2x128xi32, #tpu.memory_space<vmem>>, vector<1x16xi32>,
    %swap3A_20 = vector.shape_cast %swap3A_19 : vector<1x16xi32> to vector<16xi32>
    %swap3A_21 = vector.shape_cast %shift_right_logical3A_15 : vector<16xi32> to vector<1x16xi32>
    tpu.vector_store %arg8[%swap3A_17, %swap3A_18], %swap3A_21 {strides = array<i32>} : memref<2x128xi32, #tpu.memory_space<vmem>>, vector<1x16xi32>,
    %get3A_22 = arith.constant 0 : i32
    %get3A_23 = arith.index_cast %get3A_22 : i32 to index
    %get3A_24 = arith.constant 16 : index
    %get3A_25 = tpu.vector_load %arg6[%get3A_23, %get3A_24] {strides = array<i32>} : memref<80x128xi32, #tpu.memory_space<vmem>>, vector<1x16xi32>,
    %get3A_26 = vector.shape_cast %get3A_25 : vector<1x16xi32> to vector<16xi32>
    %and3A_27 = arith.constant 65535 : i32
    %and3A_28 = vector.broadcast %and3A_27 : i32 to vector<16xi32>
    %and3A_29 = arith.andi %get3A_26, %and3A_28 : vector<16xi32>
    %swap3A_30 = arith.constant 0 : i32
    %swap3A_31 = arith.index_cast %swap3A_30 : i32 to index
    %swap3A_32 = arith.constant 16 : index
    %swap3A_33 = tpu.vector_load %arg7[%swap3A_31, %swap3A_32] {strides = array<i32>} : memref<2x128xi32, #tpu.memory_space<vmem>>, vector<1x16xi32>,
    %swap3A_34 = vector.shape_cast %swap3A_33 : vector<1x16xi32> to vector<16xi32>
    %swap3A_35 = vector.shape_cast %and3A_29 : vector<16xi32> to vector<1x16xi32>
    tpu.vector_store %arg7[%swap3A_31, %swap3A_32], %swap3A_35 {strides = array<i32>} : memref<2x128xi32, #tpu.memory_space<vmem>>, vector<1x16xi32>,
    %shift_right_logical3A_36 = arith.constant 16 : i32
    %shift_right_logical3A_37 = vector.broadcast %shift_right_logical3A_36 : i32 to vector<16xi32>
    %shift_right_logical3A_38 = arith.shrui %get3A_26, %shift_right_logical3A_37 : vector<16xi32>
    %swap3A_39 = arith.constant 0 : i32
    %swap3A_40 = arith.index_cast %swap3A_39 : i32 to index
    %swap3A_41 = arith.constant 16 : index
    %swap3A_42 = tpu.vector_load %arg8[%swap3A_40, %swap3A_41] {strides = array<i32>} : memref<2x128xi32, #tpu.memory_space<vmem>>, vector<1x16xi32>,
    %swap3A_43 = vector.shape_cast %swap3A_42 : vector<1x16xi32> to vector<16xi32>
    %swap3A_44 = vector.shape_cast %shift_right_logical3A_38 : vector<16xi32> to vector<1x16xi32>
    tpu.vector_store %arg8[%swap3A_40, %swap3A_41], %swap3A_44 {strides = array<i32>} : memref<2x128xi32, #tpu.memory_space<vmem>>, vector<1x16xi32>,
    %get3A_45 = arith.constant 0 : i32
    %get3A_46 = arith.index_cast %get3A_45 : i32 to index
    %get3A_47 = arith.constant 32 : index
    %get3A_48 = tpu.vector_load %arg6[%get3A_46, %get3A_47] {strides = array<i32>} : memref<80x128xi32, #tpu.memory_space<vmem>>, vector<1x16xi32>,
    %get3A_49 = vector.shape_cast %get3A_48 : vector<1x16xi32> to vector<16xi32>
    %and3A_50 = arith.constant 65535 : i32
    %and3A_51 = vector.broadcast %and3A_50 : i32 to vector<16xi32>
    %and3A_52 = arith.andi %get3A_49, %and3A_51 : vector<16xi32>
    %swap3A_53 = arith.constant 0 : i32
    %swap3A_54 = arith.index_cast %swap3A_53 : i32 to index
    %swap3A_55 = arith.constant 32 : index
    %swap3A_56 = tpu.vector_load %arg7[%swap3A_54, %swap3A_55] {strides = array<i32>} : memref<2x128xi32, #tpu.memory_space<vmem>>, vector<1x16xi32>,
    %swap3A_57 = vector.shape_cast %swap3A_56 : vector<1x16xi32> to vector<16xi32>
    %swap3A_58 = vector.shape_cast %and3A_52 : vector<16xi32> to vector<1x16xi32>
    tpu.vector_store %arg7[%swap3A_54, %swap3A_55], %swap3A_58 {strides = array<i32>} : memref<2x128xi32, #tpu.memory_space<vmem>>, vector<1x16xi32>,
    %shift_right_logical3A_59 = arith.constant 16 : i32
    %shift_right_logical3A_60 = vector.broadcast %shift_right_logical3A_59 : i32 to vector<16xi32>
    %shift_right_logical3A_61 = arith.shrui %get3A_49, %shift_right_logical3A_60 : vector<16xi32>
    %swap3A_62 = arith.constant 0 : i32
    %swap3A_63 = arith.index_cast %swap3A_62 : i32 to index
    %swap3A_64 = arith.constant 32 : index
    %swap3A_65 = tpu.vector_load %arg8[%swap3A_63, %swap3A_64] {strides = array<i32>} : memref<2x128xi32, #tpu.memory_space<vmem>>, vector<1x16xi32>,
    %swap3A_66 = vector.shape_cast %swap3A_65 : vector<1x16xi32> to vector<16xi32>
    %swap3A_67 = vector.shape_cast %shift_right_logical3A_61 : vector<16xi32> to vector<1x16xi32>
    tpu.vector_store %arg8[%swap3A_63, %swap3A_64], %swap3A_67 {strides = array<i32>} : memref<2x128xi32, #tpu.memory_space<vmem>>, vector<1x16xi32>,
    %get3A_68 = arith.constant 0 : i32
    %get3A_69 = arith.index_cast %get3A_68 : i32 to index
    %get3A_70 = arith.constant 48 : index
    %get3A_71 = tpu.vector_load %arg6[%get3A_69, %get3A_70] {strides = array<i32>} : memref<80x128xi32, #tpu.memory_space<vmem>>, vector<1x16xi32>,
    %get3A_72 = vector.shape_cast %get3A_71 : vector<1x16xi32> to vector<16xi32>
    %and3A_73 = arith.constant 65535 : i32
    %and3A_74 = vector.broadcast %and3A_73 : i32 to vector<16xi32>
    %and3A_75 = arith.andi %get3A_72, %and3A_74 : vector<16xi32>
    %swap3A_76 = arith.constant 0 : i32
    %swap3A_77 = arith.index_cast %swap3A_76 : i32 to index
    %swap3A_78 = arith.constant 48 : index
    %swap3A_79 = tpu.vector_load %arg7[%swap3A_77, %swap3A_78] {strides = array<i32>} : memref<2x128xi32, #tpu.memory_space<vmem>>, vector<1x16xi32>,
    %swap3A_80 = vector.shape_cast %swap3A_79 : vector<1x16xi32> to vector<16xi32>
    %swap3A_81 = vector.shape_cast %and3A_75 : vector<16xi32> to vector<1x16xi32>
    tpu.vector_store %arg7[%swap3A_77, %swap3A_78], %swap3A_81 {strides = array<i32>} : memref<2x128xi32, #tpu.memory_space<vmem>>, vector<1x16xi32>,
    %shift_right_logical3A_82 = arith.constant 16 : i32
    %shift_right_logical3A_83 = vector.broadcast %shift_right_logical3A_82 : i32 to vector<16xi32>
    %shift_right_logical3A_84 = arith.shrui %get3A_72, %shift_right_logical3A_83 : vector<16xi32>
    %swap3A_85 = arith.constant 0 : i32
    %swap3A_86 = arith.index_cast %swap3A_85 : i32 to index
    %swap3A_87 = arith.constant 48 : index
    %swap3A_88 = tpu.vector_load %arg8[%swap3A_86, %swap3A_87] {strides = array<i32>} : memref<2x128xi32, #tpu.memory_space<vmem>>, vector<1x16xi32>,
    %swap3A_89 = vector.shape_cast %swap3A_88 : vector<1x16xi32> to vector<16xi32>
    %swap3A_90 = vector.shape_cast %shift_right_logical3A_84 : vector<16xi32> to vector<1x16xi32>
    tpu.vector_store %arg8[%swap3A_86, %swap3A_87], %swap3A_90 {strides = array<i32>} : memref<2x128xi32, #tpu.memory_space<vmem>>, vector<1x16xi32>,
    %get3A_91 = arith.constant 0 : i32
    %get3A_92 = arith.index_cast %get3A_91 : i32 to index
    %get3A_93 = arith.constant 64 : index
    %get3A_94 = tpu.vector_load %arg6[%get3A_92, %get3A_93] {strides = array<i32>} : memref<80x128xi32, #tpu.memory_space<vmem>>, vector<1x16xi32>,
    %get3A_95 = vector.shape_cast %get3A_94 : vector<1x16xi32> to vector<16xi32>
    %and3A_96 = arith.constant 65535 : i32
    %and3A_97 = vector.broadcast %and3A_96 : i32 to vector<16xi32>
    %and3A_98 = arith.andi %get3A_95, %and3A_97 : vector<16xi32>
    %swap3A_99 = arith.constant 0 : i32
    %swap3A_100 = arith.index_cast %swap3A_99 : i32 to index
    %swap3A_101 = arith.constant 64 : index
    %swap3A_102 = tpu.vector_load %arg7[%swap3A_100, %swap3A_101] {strides = array<i32>} : memref<2x128xi32, #tpu.memory_space<vmem>>, vector<1x16xi32>,
    %swap3A_103 = vector.shape_cast %swap3A_102 : vector<1x16xi32> to vector<16xi32>
    %swap3A_104 = vector.shape_cast %and3A_98 : vector<16xi32> to vector<1x16xi32>
    tpu.vector_store %arg7[%swap3A_100, %swap3A_101], %swap3A_104 {strides = array<i32>} : memref<2x128xi32, #tpu.memory_space<vmem>>, vector<1x16xi32>,
    %shift_right_logical3A_105 = arith.constant 16 : i32
    %shift_right_logical3A_106 = vector.broadcast %shift_right_logical3A_105 : i32 to vector<16xi32>
    %shift_right_logical3A_107 = arith.shrui %get3A_95, %shift_right_logical3A_106 : vector<16xi32>
    %swap3A_108 = arith.constant 0 : i32
    %swap3A_109 = arith.index_cast %swap3A_108 : i32 to index
    %swap3A_110 = arith.constant 64 : index
    %swap3A_111 = tpu.vector_load %arg8[%swap3A_109, %swap3A_110] {strides = array<i32>} : memref<2x128xi32, #tpu.memory_space<vmem>>, vector<1x16xi32>,
    %swap3A_112 = vector.shape_cast %swap3A_111 : vector<1x16xi32> to vector<16xi32>
    %swap3A_113 = vector.shape_cast %shift_right_logical3A_107 : vector<16xi32> to vector<1x16xi32>
    tpu.vector_store %arg8[%swap3A_109, %swap3A_110], %swap3A_113 {strides = array<i32>} : memref<2x128xi32, #tpu.memory_space<vmem>>, vector<1x16xi32>,
    %get3A_114 = arith.constant 0 : i32
    %get3A_115 = arith.index_cast %get3A_114 : i32 to index
    %get3A_116 = arith.constant 80 : index
    %get3A_117 = tpu.vector_load %arg6[%get3A_115, %get3A_116] {strides = array<i32>} : memref<80x128xi32, #tpu.memory_space<vmem>>, vector<1x16xi32>,
    %get3A_118 = vector.shape_cast %get3A_117 : vector<1x16xi32> to vector<16xi32>
    %and3A_119 = arith.constant 65535 : i32
    %and3A_120 = vector.broadcast %and3A_119 : i32 to vector<16xi32>
    %and3A_121 = arith.andi %get3A_118, %and3A_120 : vector<16xi32>
    %swap3A_122 = arith.constant 0 : i32
    %swap3A_123 = arith.index_cast %swap3A_122 : i32 to index
    %swap3A_124 = arith.constant 80 : index
    %swap3A_125 = tpu.vector_load %arg7[%swap3A_123, %swap3A_124] {strides = array<i32>} : memref<2x128xi32, #tpu.memory_space<vmem>>, vector<1x16xi32>,
    %swap3A_126 = vector.shape_cast %swap3A_125 : vector<1x16xi32> to vector<16xi32>
    %swap3A_127 = vector.shape_cast %and3A_121 : vector<16xi32> to vector<1x16xi32>
    tpu.vector_store %arg7[%swap3A_123, %swap3A_124], %swap3A_127 {strides = array<i32>} : memref<2x128xi32, #tpu.memory_space<vmem>>, vector<1x16xi32>,
    %shift_right_logical3A_128 = arith.constant 16 : i32
    %shift_right_logical3A_129 = vector.broadcast %shift_right_logical3A_128 : i32 to vector<16xi32>
    %shift_right_logical3A_130 = arith.shrui %get3A_118, %shift_right_logical3A_129 : vector<16xi32>
    %swap3A_131 = arith.constant 0 : i32
    %swap3A_132 = arith.index_cast %swap3A_131 : i32 to index
    %swap3A_133 = arith.constant 80 : index
    %swap3A_134 = tpu.vector_load %arg8[%swap3A_132, %swap3A_133] {strides = array<i32>} : memref<2x128xi32, #tpu.memory_space<vmem>>, vector<1x16xi32>,
    %swap3A_135 = vector.shape_cast %swap3A_134 : vector<1x16xi32> to vector<16xi32>
    %swap3A_136 = vector.shape_cast %shift_right_logical3A_130 : vector<16xi32> to vector<1x16xi32>
    tpu.vector_store %arg8[%swap3A_132, %swap3A_133], %swap3A_136 {strides = array<i32>} : memref<2x128xi32, #tpu.memory_space<vmem>>, vector<1x16xi32>,
    %get3A_137 = arith.constant 0 : i32
    %get3A_138 = arith.index_cast %get3A_137 : i32 to index
    %get3A_139 = arith.constant 96 : index
    %get3A_140 = tpu.vector_load %arg6[%get3A_138, %get3A_139] {strides = array<i32>} : memref<80x128xi32, #tpu.memory_space<vmem>>, vector<1x16xi32>,
    %get3A_141 = vector.shape_cast %get3A_140 : vector<1x16xi32> to vector<16xi32>
    %and3A_142 = arith.constant 65535 : i32
    %and3A_143 = vector.broadcast %and3A_142 : i32 to vector<16xi32>
    %and3A_144 = arith.andi %get3A_141, %and3A_143 : vector<16xi32>
    %swap3A_145 = arith.constant 0 : i32
    %swap3A_146 = arith.index_cast %swap3A_145 : i32 to index
    %swap3A_147 = arith.constant 96 : index
    %swap3A_148 = tpu.vector_load %arg7[%swap3A_146, %swap3A_147] {strides = array<i32>} : memref<2x128xi32, #tpu.memory_space<vmem>>, vector<1x16xi32>,
    %swap3A_149 = vector.shape_cast %swap3A_148 : vector<1x16xi32> to vector<16xi32>
    %swap3A_150 = vector.shape_cast %and3A_144 : vector<16xi32> to vector<1x16xi32>
    tpu.vector_store %arg7[%swap3A_146, %swap3A_147], %swap3A_150 {strides = array<i32>} : memref<2x128xi32, #tpu.memory_space<vmem>>, vector<1x16xi32>,
    %shift_right_logical3A_151 = arith.constant 16 : i32
    %shift_right_logical3A_152 = vector.broadcast %shift_right_logical3A_151 : i32 to vector<16xi32>
    %shift_right_logical3A_153 = arith.shrui %get3A_141, %shift_right_logical3A_152 : vector<16xi32>
    %swap3A_154 = arith.constant 0 : i32
    %swap3A_155 = arith.index_cast %swap3A_154 : i32 to index
    %swap3A_156 = arith.constant 96 : index
    %swap3A_157 = tpu.vector_load %arg8[%swap3A_155, %swap3A_156] {strides = array<i32>} : memref<2x128xi32, #tpu.memory_space<vmem>>, vector<1x16xi32>,
    %swap3A_158 = vector.shape_cast %swap3A_157 : vector<1x16xi32> to vector<16xi32>
    %swap3A_159 = vector.shape_cast %shift_right_logical3A_153 : vector<16xi32> to vector<1x16xi32>
    tpu.vector_store %arg8[%swap3A_155, %swap3A_156], %swap3A_159 {strides = array<i32>} : memref<2x128xi32, #tpu.memory_space<vmem>>, vector<1x16xi32>,
    %get3A_160 = arith.constant 0 : i32
    %get3A_161 = arith.index_cast %get3A_160 : i32 to index
    %get3A_162 = arith.constant 112 : index
    %get3A_163 = tpu.vector_load %arg6[%get3A_161, %get3A_162] {strides = array<i32>} : memref<80x128xi32, #tpu.memory_space<vmem>>, vector<1x16xi32>,
    %get3A_164 = vector.shape_cast %get3A_163 : vector<1x16xi32> to vector<16xi32>
    %and3A_165 = arith.constant 65535 : i32
    %and3A_166 = vector.broadcast %and3A_165 : i32 to vector<16xi32>
    %and3A_167 = arith.andi %get3A_164, %and3A_166 : vector<16xi32>
    %swap3A_168 = arith.constant 0 : i32
    %swap3A_169 = arith.index_cast %swap3A_168 : i32 to index
    %swap3A_170 = arith.constant 112 : index
    %swap3A_171 = tpu.vector_load %arg7[%swap3A_169, %swap3A_170] {strides = array<i32>} : memref<2x128xi32, #tpu.memory_space<vmem>>, vector<1x16xi32>,
    %swap3A_172 = vector.shape_cast %swap3A_171 : vector<1x16xi32> to vector<16xi32>
    %swap3A_173 = vector.shape_cast %and3A_167 : vector<16xi32> to vector<1x16xi32>
    tpu.vector_store %arg7[%swap3A_169, %swap3A_170], %swap3A_173 {strides = array<i32>} : memref<2x128xi32, #tpu.memory_space<vmem>>, vector<1x16xi32>,
    %shift_right_logical3A_174 = arith.constant 16 : i32
    %shift_right_logical3A_175 = vector.broadcast %shift_right_logical3A_174 : i32 to vector<16xi32>
    %shift_right_logical3A_176 = arith.shrui %get3A_164, %shift_right_logical3A_175 : vector<16xi32>
    %swap3A_177 = arith.constant 0 : i32
    %swap3A_178 = arith.index_cast %swap3A_177 : i32 to index
    %swap3A_179 = arith.constant 112 : index
    %swap3A_180 = tpu.vector_load %arg8[%swap3A_178, %swap3A_179] {strides = array<i32>} : memref<2x128xi32, #tpu.memory_space<vmem>>, vector<1x16xi32>,
    %swap3A_181 = vector.shape_cast %swap3A_180 : vector<1x16xi32> to vector<16xi32>
    %swap3A_182 = vector.shape_cast %shift_right_logical3A_176 : vector<16xi32> to vector<1x16xi32>
    tpu.vector_store %arg8[%swap3A_178, %swap3A_179], %swap3A_182 {strides = array<i32>} : memref<2x128xi32, #tpu.memory_space<vmem>>, vector<1x16xi32>,
    %dma_start3A = arith.constant 0 : i32
    %dma_start3A_183 = arith.constant 0 : i32
    %dma_start3A_184 = arith.constant 0 : i32
    %dma_start3A_185 = arith.constant 0 : i32
    %dma_start3A_186 = arith.constant 0 : i32
    %dma_start3A_187 = tpu.memref_slice %arg9[%dma_start3A_183, %dma_start3A_185, %dma_start3A_186] : memref<2x128x128xf32, #tpu.memory_space<vmem>> -> memref<1x128x128xf32, #tpu.memory_space<vmem>>
    %dma_start3A_188 = tpu.memref_squeeze %dma_start3A_187 : memref<1x128x128xf32, #tpu.memory_space<vmem>> -> memref<128x128xf32, #tpu.memory_space<vmem>>
    %dma_start3A_189 = arith.constant 0 : i32
    %dma_start3A_190 = tpu.memref_slice %arg7[%dma_start3A, %dma_start3A_189] : memref<2x128xi32, #tpu.memory_space<vmem>> -> memref<1x128xi32, #tpu.memory_space<vmem>>
    %dma_start3A_191 = tpu.memref_squeeze %dma_start3A_190 : memref<1x128xi32, #tpu.memory_space<vmem>> -> memref<128xi32, #tpu.memory_space<vmem>>
    %dma_start3A_192 = arith.constant 0 : i32
    %dma_start3A_193 = arith.constant 0 : i32
    %dma_start3A_194 = tpu.memref_slice %arg2[%dma_start3A_192, %dma_start3A_193] : memref<10000x128xf32, #tpu.memory_space<hbm>> -> memref<10000x128xf32, #tpu.memory_space<hbm>>
    %dma_start3A_195 = tpu.memref_slice %arg11[%dma_start3A_184] : memref<2x!tpu.dma_semaphore, #tpu.memory_space<semaphore_mem>> -> memref<1x!tpu.dma_semaphore, #tpu.memory_space<semaphore_mem>>
    %dma_start3A_196 = tpu.memref_squeeze %dma_start3A_195 : memref<1x!tpu.dma_semaphore, #tpu.memory_space<semaphore_mem>> -> memref<!tpu.dma_semaphore, #tpu.memory_space<semaphore_mem>>
    tpu.enqueue_indirect_dma source(%dma_start3A_194 : memref<10000x128xf32, #tpu.memory_space<hbm>>) target(%dma_start3A_188 : memref<128x128xf32, #tpu.memory_space<vmem>>) offsets(%dma_start3A_191 : memref<128xi32, #tpu.memory_space<vmem>>) semaphore(%dma_start3A_196 : memref<!tpu.dma_semaphore, #tpu.memory_space<semaphore_mem>>)
    %get3A_197 = arith.constant 1 : i32
    %get3A_198 = arith.index_cast %get3A_197 : i32 to index
    %get3A_199 = arith.constant 0 : index
    %get3A_200 = tpu.vector_load %arg6[%get3A_198, %get3A_199] {strides = array<i32>} : memref<80x128xi32, #tpu.memory_space<vmem>>, vector<1x16xi32>,
    %get3A_201 = vector.shape_cast %get3A_200 : vector<1x16xi32> to vector<16xi32>
    %and3A_202 = arith.constant 65535 : i32
    %and3A_203 = vector.broadcast %and3A_202 : i32 to vector<16xi32>
    %and3A_204 = arith.andi %get3A_201, %and3A_203 : vector<16xi32>
    %swap3A_205 = arith.constant 1 : i32
    %swap3A_206 = arith.index_cast %swap3A_205 : i32 to index
    %swap3A_207 = arith.constant 0 : index
    %swap3A_208 = tpu.vector_load %arg7[%swap3A_206, %swap3A_207] {strides = array<i32>} : memref<2x128xi32, #tpu.memory_space<vmem>>, vector<1x16xi32>,
    %swap3A_209 = vector.shape_cast %swap3A_208 : vector<1x16xi32> to vector<16xi32>
    %swap3A_210 = vector.shape_cast %and3A_204 : vector<16xi32> to vector<1x16xi32>
    tpu.vector_store %arg7[%swap3A_206, %swap3A_207], %swap3A_210 {strides = array<i32>} : memref<2x128xi32, #tpu.memory_space<vmem>>, vector<1x16xi32>,
    %shift_right_logical3A_211 = arith.constant 16 : i32
    %shift_right_logical3A_212 = vector.broadcast %shift_right_logical3A_211 : i32 to vector<16xi32>
    %shift_right_logical3A_213 = arith.shrui %get3A_201, %shift_right_logical3A_212 : vector<16xi32>
    %swap3A_214 = arith.constant 1 : i32
    %swap3A_215 = arith.index_cast %swap3A_214 : i32 to index
    %swap3A_216 = arith.constant 0 : index
    %swap3A_217 = tpu.vector_load %arg8[%swap3A_215, %swap3A_216] {strides = array<i32>} : memref<2x128xi32, #tpu.memory_space<vmem>>, vector<1x16xi32>,
    %swap3A_218 = vector.shape_cast %swap3A_217 : vector<1x16xi32> to vector<16xi32>
    %swap3A_219 = vector.shape_cast %shift_right_logical3A_213 : vector<16xi32> to vector<1x16xi32>
    tpu.vector_store %arg8[%swap3A_215, %swap3A_216], %swap3A_219 {strides = array<i32>} : memref<2x128xi32, #tpu.memory_space<vmem>>, vector<1x16xi32>,
    %get3A_220 = arith.constant 1 : i32
    %get3A_221 = arith.index_cast %get3A_220 : i32 to index
    %get3A_222 = arith.constant 16 : index
    %get3A_223 = tpu.vector_load %arg6[%get3A_221, %get3A_222] {strides = array<i32>} : memref<80x128xi32, #tpu.memory_space<vmem>>, vector<1x16xi32>,
    %get3A_224 = vector.shape_cast %get3A_223 : vector<1x16xi32> to vector<16xi32>
    %and3A_225 = arith.constant 65535 : i32
    %and3A_226 = vector.broadcast %and3A_225 : i32 to vector<16xi32>
    %and3A_227 = arith.andi %get3A_224, %and3A_226 : vector<16xi32>
    %swap3A_228 = arith.constant 1 : i32
    %swap3A_229 = arith.index_cast %swap3A_228 : i32 to index
    %swap3A_230 = arith.constant 16 : index
    %swap3A_231 = tpu.vector_load %arg7[%swap3A_229, %swap3A_230] {strides = array<i32>} : memref<2x128xi32, #tpu.memory_space<vmem>>, vector<1x16xi32>,
    %swap3A_232 = vector.shape_cast %swap3A_231 : vector<1x16xi32> to vector<16xi32>
    %swap3A_233 = vector.shape_cast %and3A_227 : vector<16xi32> to vector<1x16xi32>
    tpu.vector_store %arg7[%swap3A_229, %swap3A_230], %swap3A_233 {strides = array<i32>} : memref<2x128xi32, #tpu.memory_space<vmem>>, vector<1x16xi32>,
    %shift_right_logical3A_234 = arith.constant 16 : i32
    %shift_right_logical3A_235 = vector.broadcast %shift_right_logical3A_234 : i32 to vector<16xi32>
    %shift_right_logical3A_236 = arith.shrui %get3A_224, %shift_right_logical3A_235 : vector<16xi32>
    %swap3A_237 = arith.constant 1 : i32
    %swap3A_238 = arith.index_cast %swap3A_237 : i32 to index
    %swap3A_239 = arith.constant 16 : index
    %swap3A_240 = tpu.vector_load %arg8[%swap3A_238, %swap3A_239] {strides = array<i32>} : memref<2x128xi32, #tpu.memory_space<vmem>>, vector<1x16xi32>,
    %swap3A_241 = vector.shape_cast %swap3A_240 : vector<1x16xi32> to vector<16xi32>
    %swap3A_242 = vector.shape_cast %shift_right_logical3A_236 : vector<16xi32> to vector<1x16xi32>
    tpu.vector_store %arg8[%swap3A_238, %swap3A_239], %swap3A_242 {strides = array<i32>} : memref<2x128xi32, #tpu.memory_space<vmem>>, vector<1x16xi32>,
    %get3A_243 = arith.constant 1 : i32
    %get3A_244 = arith.index_cast %get3A_243 : i32 to index
    %get3A_245 = arith.constant 32 : index
    %get3A_246 = tpu.vector_load %arg6[%get3A_244, %get3A_245] {strides = array<i32>} : memref<80x128xi32, #tpu.memory_space<vmem>>, vector<1x16xi32>,
    %get3A_247 = vector.shape_cast %get3A_246 : vector<1x16xi32> to vector<16xi32>
    %and3A_248 = arith.constant 65535 : i32
    %and3A_249 = vector.broadcast %and3A_248 : i32 to vector<16xi32>
    %and3A_250 = arith.andi %get3A_247, %and3A_249 : vector<16xi32>
    %swap3A_251 = arith.constant 1 : i32
    %swap3A_252 = arith.index_cast %swap3A_251 : i32 to index
    %swap3A_253 = arith.constant 32 : index
    %swap3A_254 = tpu.vector_load %arg7[%swap3A_252, %swap3A_253] {strides = array<i32>} : memref<2x128xi32, #tpu.memory_space<vmem>>, vector<1x16xi32>,
    %swap3A_255 = vector.shape_cast %swap3A_254 : vector<1x16xi32> to vector<16xi32>
    %swap3A_256 = vector.shape_cast %and3A_250 : vector<16xi32> to vector<1x16xi32>
    tpu.vector_store %arg7[%swap3A_252, %swap3A_253], %swap3A_256 {strides = array<i32>} : memref<2x128xi32, #tpu.memory_space<vmem>>, vector<1x16xi32>,
    %shift_right_logical3A_257 = arith.constant 16 : i32
    %shift_right_logical3A_258 = vector.broadcast %shift_right_logical3A_257 : i32 to vector<16xi32>
    %shift_right_logical3A_259 = arith.shrui %get3A_247, %shift_right_logical3A_258 : vector<16xi32>
    %swap3A_260 = arith.constant 1 : i32
    %swap3A_261 = arith.index_cast %swap3A_260 : i32 to index
    %swap3A_262 = arith.constant 32 : index
    %swap3A_263 = tpu.vector_load %arg8[%swap3A_261, %swap3A_262] {strides = array<i32>} : memref<2x128xi32, #tpu.memory_space<vmem>>, vector<1x16xi32>,
    %swap3A_264 = vector.shape_cast %swap3A_263 : vector<1x16xi32> to vector<16xi32>
    %swap3A_265 = vector.shape_cast %shift_right_logical3A_259 : vector<16xi32> to vector<1x16xi32>
    tpu.vector_store %arg8[%swap3A_261, %swap3A_262], %swap3A_265 {strides = array<i32>} : memref<2x128xi32, #tpu.memory_space<vmem>>, vector<1x16xi32>,
    %get3A_266 = arith.constant 1 : i32
    %get3A_267 = arith.index_cast %get3A_266 : i32 to index
    %get3A_268 = arith.constant 48 : index
    %get3A_269 = tpu.vector_load %arg6[%get3A_267, %get3A_268] {strides = array<i32>} : memref<80x128xi32, #tpu.memory_space<vmem>>, vector<1x16xi32>,
    %get3A_270 = vector.shape_cast %get3A_269 : vector<1x16xi32> to vector<16xi32>
    %and3A_271 = arith.constant 65535 : i32
    %and3A_272 = vector.broadcast %and3A_271 : i32 to vector<16xi32>
    %and3A_273 = arith.andi %get3A_270, %and3A_272 : vector<16xi32>
    %swap3A_274 = arith.constant 1 : i32
    %swap3A_275 = arith.index_cast %swap3A_274 : i32 to index
    %swap3A_276 = arith.constant 48 : index
    %swap3A_277 = tpu.vector_load %arg7[%swap3A_275, %swap3A_276] {strides = array<i32>} : memref<2x128xi32, #tpu.memory_space<vmem>>, vector<1x16xi32>,
    %swap3A_278 = vector.shape_cast %swap3A_277 : vector<1x16xi32> to vector<16xi32>
    %swap3A_279 = vector.shape_cast %and3A_273 : vector<16xi32> to vector<1x16xi32>
    tpu.vector_store %arg7[%swap3A_275, %swap3A_276], %swap3A_279 {strides = array<i32>} : memref<2x128xi32, #tpu.memory_space<vmem>>, vector<1x16xi32>,
    %shift_right_logical3A_280 = arith.constant 16 : i32
    %shift_right_logical3A_281 = vector.broadcast %shift_right_logical3A_280 : i32 to vector<16xi32>
    %shift_right_logical3A_282 = arith.shrui %get3A_270, %shift_right_logical3A_281 : vector<16xi32>
    %swap3A_283 = arith.constant 1 : i32
    %swap3A_284 = arith.index_cast %swap3A_283 : i32 to index
    %swap3A_285 = arith.constant 48 : index
    %swap3A_286 = tpu.vector_load %arg8[%swap3A_284, %swap3A_285] {strides = array<i32>} : memref<2x128xi32, #tpu.memory_space<vmem>>, vector<1x16xi32>,
    %swap3A_287 = vector.shape_cast %swap3A_286 : vector<1x16xi32> to vector<16xi32>
    %swap3A_288 = vector.shape_cast %shift_right_logical3A_282 : vector<16xi32> to vector<1x16xi32>
    tpu.vector_store %arg8[%swap3A_284, %swap3A_285], %swap3A_288 {strides = array<i32>} : memref<2x128xi32, #tpu.memory_space<vmem>>, vector<1x16xi32>,
    %get3A_289 = arith.constant 1 : i32
    %get3A_290 = arith.index_cast %get3A_289 : i32 to index
    %get3A_291 = arith.constant 64 : index
    %get3A_292 = tpu.vector_load %arg6[%get3A_290, %get3A_291] {strides = array<i32>} : memref<80x128xi32, #tpu.memory_space<vmem>>, vector<1x16xi32>,
    %get3A_293 = vector.shape_cast %get3A_292 : vector<1x16xi32> to vector<16xi32>
    %and3A_294 = arith.constant 65535 : i32
    %and3A_295 = vector.broadcast %and3A_294 : i32 to vector<16xi32>
    %and3A_296 = arith.andi %get3A_293, %and3A_295 : vector<16xi32>
    %swap3A_297 = arith.constant 1 : i32
    %swap3A_298 = arith.index_cast %swap3A_297 : i32 to index
    %swap3A_299 = arith.constant 64 : index
    %swap3A_300 = tpu.vector_load %arg7[%swap3A_298, %swap3A_299] {strides = array<i32>} : memref<2x128xi32, #tpu.memory_space<vmem>>, vector<1x16xi32>,
    %swap3A_301 = vector.shape_cast %swap3A_300 : vector<1x16xi32> to vector<16xi32>
    %swap3A_302 = vector.shape_cast %and3A_296 : vector<16xi32> to vector<1x16xi32>
    tpu.vector_store %arg7[%swap3A_298, %swap3A_299], %swap3A_302 {strides = array<i32>} : memref<2x128xi32, #tpu.memory_space<vmem>>, vector<1x16xi32>,
    %shift_right_logical3A_303 = arith.constant 16 : i32
    %shift_right_logical3A_304 = vector.broadcast %shift_right_logical3A_303 : i32 to vector<16xi32>
    %shift_right_logical3A_305 = arith.shrui %get3A_293, %shift_right_logical3A_304 : vector<16xi32>
    %swap3A_306 = arith.constant 1 : i32
    %swap3A_307 = arith.index_cast %swap3A_306 : i32 to index
    %swap3A_308 = arith.constant 64 : index
    %swap3A_309 = tpu.vector_load %arg8[%swap3A_307, %swap3A_308] {strides = array<i32>} : memref<2x128xi32, #tpu.memory_space<vmem>>, vector<1x16xi32>,
    %swap3A_310 = vector.shape_cast %swap3A_309 : vector<1x16xi32> to vector<16xi32>
    %swap3A_311 = vector.shape_cast %shift_right_logical3A_305 : vector<16xi32> to vector<1x16xi32>
    tpu.vector_store %arg8[%swap3A_307, %swap3A_308], %swap3A_311 {strides = array<i32>} : memref<2x128xi32, #tpu.memory_space<vmem>>, vector<1x16xi32>,
    %get3A_312 = arith.constant 1 : i32
    %get3A_313 = arith.index_cast %get3A_312 : i32 to index
    %get3A_314 = arith.constant 80 : index
    %get3A_315 = tpu.vector_load %arg6[%get3A_313, %get3A_314] {strides = array<i32>} : memref<80x128xi32, #tpu.memory_space<vmem>>, vector<1x16xi32>,
    %get3A_316 = vector.shape_cast %get3A_315 : vector<1x16xi32> to vector<16xi32>
    %and3A_317 = arith.constant 65535 : i32
    %and3A_318 = vector.broadcast %and3A_317 : i32 to vector<16xi32>
    %and3A_319 = arith.andi %get3A_316, %and3A_318 : vector<16xi32>
    %swap3A_320 = arith.constant 1 : i32
    %swap3A_321 = arith.index_cast %swap3A_320 : i32 to index
    %swap3A_322 = arith.constant 80 : index
    %swap3A_323 = tpu.vector_load %arg7[%swap3A_321, %swap3A_322] {strides = array<i32>} : memref<2x128xi32, #tpu.memory_space<vmem>>, vector<1x16xi32>,
    %swap3A_324 = vector.shape_cast %swap3A_323 : vector<1x16xi32> to vector<16xi32>
    %swap3A_325 = vector.shape_cast %and3A_319 : vector<16xi32> to vector<1x16xi32>
    tpu.vector_store %arg7[%swap3A_321, %swap3A_322], %swap3A_325 {strides = array<i32>} : memref<2x128xi32, #tpu.memory_space<vmem>>, vector<1x16xi32>,
    %shift_right_logical3A_326 = arith.constant 16 : i32
    %shift_right_logical3A_327 = vector.broadcast %shift_right_logical3A_326 : i32 to vector<16xi32>
    %shift_right_logical3A_328 = arith.shrui %get3A_316, %shift_right_logical3A_327 : vector<16xi32>
    %swap3A_329 = arith.constant 1 : i32
    %swap3A_330 = arith.index_cast %swap3A_329 : i32 to index
    %swap3A_331 = arith.constant 80 : index
    %swap3A_332 = tpu.vector_load %arg8[%swap3A_330, %swap3A_331] {strides = array<i32>} : memref<2x128xi32, #tpu.memory_space<vmem>>, vector<1x16xi32>,
    %swap3A_333 = vector.shape_cast %swap3A_332 : vector<1x16xi32> to vector<16xi32>
    %swap3A_334 = vector.shape_cast %shift_right_logical3A_328 : vector<16xi32> to vector<1x16xi32>
    tpu.vector_store %arg8[%swap3A_330, %swap3A_331], %swap3A_334 {strides = array<i32>} : memref<2x128xi32, #tpu.memory_space<vmem>>, vector<1x16xi32>,
    %get3A_335 = arith.constant 1 : i32
    %get3A_336 = arith.index_cast %get3A_335 : i32 to index
    %get3A_337 = arith.constant 96 : index
    %get3A_338 = tpu.vector_load %arg6[%get3A_336, %get3A_337] {strides = array<i32>} : memref<80x128xi32, #tpu.memory_space<vmem>>, vector<1x16xi32>,
    %get3A_339 = vector.shape_cast %get3A_338 : vector<1x16xi32> to vector<16xi32>
    %and3A_340 = arith.constant 65535 : i32
    %and3A_341 = vector.broadcast %and3A_340 : i32 to vector<16xi32>
    %and3A_342 = arith.andi %get3A_339, %and3A_341 : vector<16xi32>
    %swap3A_343 = arith.constant 1 : i32
    %swap3A_344 = arith.index_cast %swap3A_343 : i32 to index
    %swap3A_345 = arith.constant 96 : index
    %swap3A_346 = tpu.vector_load %arg7[%swap3A_344, %swap3A_345] {strides = array<i32>} : memref<2x128xi32, #tpu.memory_space<vmem>>, vector<1x16xi32>,
    %swap3A_347 = vector.shape_cast %swap3A_346 : vector<1x16xi32> to vector<16xi32>
    %swap3A_348 = vector.shape_cast %and3A_342 : vector<16xi32> to vector<1x16xi32>
    tpu.vector_store %arg7[%swap3A_344, %swap3A_345], %swap3A_348 {strides = array<i32>} : memref<2x128xi32, #tpu.memory_space<vmem>>, vector<1x16xi32>,
    %shift_right_logical3A_349 = arith.constant 16 : i32
    %shift_right_logical3A_350 = vector.broadcast %shift_right_logical3A_349 : i32 to vector<16xi32>
    %shift_right_logical3A_351 = arith.shrui %get3A_339, %shift_right_logical3A_350 : vector<16xi32>
    %swap3A_352 = arith.constant 1 : i32
    %swap3A_353 = arith.index_cast %swap3A_352 : i32 to index
    %swap3A_354 = arith.constant 96 : index
    %swap3A_355 = tpu.vector_load %arg8[%swap3A_353, %swap3A_354] {strides = array<i32>} : memref<2x128xi32, #tpu.memory_space<vmem>>, vector<1x16xi32>,
    %swap3A_356 = vector.shape_cast %swap3A_355 : vector<1x16xi32> to vector<16xi32>
    %swap3A_357 = vector.shape_cast %shift_right_logical3A_351 : vector<16xi32> to vector<1x16xi32>
    tpu.vector_store %arg8[%swap3A_353, %swap3A_354], %swap3A_357 {strides = array<i32>} : memref<2x128xi32, #tpu.memory_space<vmem>>, vector<1x16xi32>,
    %get3A_358 = arith.constant 1 : i32
    %get3A_359 = arith.index_cast %get3A_358 : i32 to index
    %get3A_360 = arith.constant 112 : index
    %get3A_361 = tpu.vector_load %arg6[%get3A_359, %get3A_360] {strides = array<i32>} : memref<80x128xi32, #tpu.memory_space<vmem>>, vector<1x16xi32>,
    %get3A_362 = vector.shape_cast %get3A_361 : vector<1x16xi32> to vector<16xi32>
    %and3A_363 = arith.constant 65535 : i32
    %and3A_364 = vector.broadcast %and3A_363 : i32 to vector<16xi32>
    %and3A_365 = arith.andi %get3A_362, %and3A_364 : vector<16xi32>
    %swap3A_366 = arith.constant 1 : i32
    %swap3A_367 = arith.index_cast %swap3A_366 : i32 to index
    %swap3A_368 = arith.constant 112 : index
    %swap3A_369 = tpu.vector_load %arg7[%swap3A_367, %swap3A_368] {strides = array<i32>} : memref<2x128xi32, #tpu.memory_space<vmem>>, vector<1x16xi32>,
    %swap3A_370 = vector.shape_cast %swap3A_369 : vector<1x16xi32> to vector<16xi32>
    %swap3A_371 = vector.shape_cast %and3A_365 : vector<16xi32> to vector<1x16xi32>
    tpu.vector_store %arg7[%swap3A_367, %swap3A_368], %swap3A_371 {strides = array<i32>} : memref<2x128xi32, #tpu.memory_space<vmem>>, vector<1x16xi32>,
    %shift_right_logical3A_372 = arith.constant 16 : i32
    %shift_right_logical3A_373 = vector.broadcast %shift_right_logical3A_372 : i32 to vector<16xi32>
    %shift_right_logical3A_374 = arith.shrui %get3A_362, %shift_right_logical3A_373 : vector<16xi32>
    %swap3A_375 = arith.constant 1 : i32
    %swap3A_376 = arith.index_cast %swap3A_375 : i32 to index
    %swap3A_377 = arith.constant 112 : index
    %swap3A_378 = tpu.vector_load %arg8[%swap3A_376, %swap3A_377] {strides = array<i32>} : memref<2x128xi32, #tpu.memory_space<vmem>>, vector<1x16xi32>,
    %swap3A_379 = vector.shape_cast %swap3A_378 : vector<1x16xi32> to vector<16xi32>
    %swap3A_380 = vector.shape_cast %shift_right_logical3A_374 : vector<16xi32> to vector<1x16xi32>
    tpu.vector_store %arg8[%swap3A_376, %swap3A_377], %swap3A_380 {strides = array<i32>} : memref<2x128xi32, #tpu.memory_space<vmem>>, vector<1x16xi32>,
    %dma_start3A_381 = arith.constant 1 : i32
    %dma_start3A_382 = arith.constant 1 : i32
    %dma_start3A_383 = arith.constant 1 : i32
    %dma_start3A_384 = arith.constant 0 : i32
    %dma_start3A_385 = arith.constant 0 : i32
    %dma_start3A_386 = tpu.memref_slice %arg9[%dma_start3A_382, %dma_start3A_384, %dma_start3A_385] : memref<2x128x128xf32, #tpu.memory_space<vmem>> -> memref<1x128x128xf32, #tpu.memory_space<vmem>>
    %dma_start3A_387 = tpu.memref_squeeze %dma_start3A_386 : memref<1x128x128xf32, #tpu.memory_space<vmem>> -> memref<128x128xf32, #tpu.memory_space<vmem>>
    %dma_start3A_388 = arith.constant 0 : i32
    %dma_start3A_389 = tpu.memref_slice %arg7[%dma_start3A_381, %dma_start3A_388] : memref<2x128xi32, #tpu.memory_space<vmem>> -> memref<1x128xi32, #tpu.memory_space<vmem>>
    %dma_start3A_390 = tpu.memref_squeeze %dma_start3A_389 : memref<1x128xi32, #tpu.memory_space<vmem>> -> memref<128xi32, #tpu.memory_space<vmem>>
    %dma_start3A_391 = arith.constant 0 : i32
    %dma_start3A_392 = arith.constant 0 : i32
    %dma_start3A_393 = tpu.memref_slice %arg2[%dma_start3A_391, %dma_start3A_392] : memref<10000x128xf32, #tpu.memory_space<hbm>> -> memref<10000x128xf32, #tpu.memory_space<hbm>>
    %dma_start3A_394 = tpu.memref_slice %arg11[%dma_start3A_383] : memref<2x!tpu.dma_semaphore, #tpu.memory_space<semaphore_mem>> -> memref<1x!tpu.dma_semaphore, #tpu.memory_space<semaphore_mem>>
    %dma_start3A_395 = tpu.memref_squeeze %dma_start3A_394 : memref<1x!tpu.dma_semaphore, #tpu.memory_space<semaphore_mem>> -> memref<!tpu.dma_semaphore, #tpu.memory_space<semaphore_mem>>
    tpu.enqueue_indirect_dma source(%dma_start3A_393 : memref<10000x128xf32, #tpu.memory_space<hbm>>) target(%dma_start3A_387 : memref<128x128xf32, #tpu.memory_space<vmem>>) offsets(%dma_start3A_390 : memref<128xi32, #tpu.memory_space<vmem>>) semaphore(%dma_start3A_395 : memref<!tpu.dma_semaphore, #tpu.memory_space<semaphore_mem>>)
    %scan3A = arith.constant 0 : i32
    %scan3A_396 = arith.constant 0 : i32
    %scan3A_397 = arith.constant 40 : i32
    %scan3A_398 = arith.addi %scan3A_396, %scan3A_397 : i32
    %scan3A_399 = arith.constant 1 : i32
    scf.for %scan3A_406 = %scan3A_396 to %scan3A_398 step %scan3A_399  : i32 {
      %mul3A_407 = arith.constant 2 : i32
      %mul3A_408 = arith.muli %scan3A_406, %mul3A_407 : i32
      %add3A = arith.constant 0 : i32
      %add3A_409 = arith.addi %mul3A_408, %add3A : i32
      %dma_wait3A = arith.constant 0 : i32
      %dma_wait3A_410 = arith.constant 0 : i32
      %dma_wait3A_411 = arith.constant 0 : i32
      %dma_wait3A_412 = arith.constant 0 : i32
      %dma_wait3A_413 = arith.constant 0 : i32
      %dma_wait3A_414 = tpu.memref_slice %arg9[%dma_wait3A_410, %dma_wait3A_412, %dma_wait3A_413] : memref<2x128x128xf32, #tpu.memory_space<vmem>> -> memref<1x128x128xf32, #tpu.memory_space<vmem>>
      %dma_wait3A_415 = tpu.memref_squeeze %dma_wait3A_414 : memref<1x128x128xf32, #tpu.memory_space<vmem>> -> memref<128x128xf32, #tpu.memory_space<vmem>>
      %dma_wait3A_416 = arith.constant 0 : i32
      %dma_wait3A_417 = tpu.memref_slice %arg7[%dma_wait3A, %dma_wait3A_416] : memref<2x128xi32, #tpu.memory_space<vmem>> -> memref<1x128xi32, #tpu.memory_space<vmem>>
      %dma_wait3A_418 = tpu.memref_squeeze %dma_wait3A_417 : memref<1x128xi32, #tpu.memory_space<vmem>> -> memref<128xi32, #tpu.memory_space<vmem>>
      %dma_wait3A_419 = arith.constant 0 : i32
      %dma_wait3A_420 = arith.constant 0 : i32
      %dma_wait3A_421 = tpu.memref_slice %arg2[%dma_wait3A_419, %dma_wait3A_420] : memref<10000x128xf32, #tpu.memory_space<hbm>> -> memref<10000x128xf32, #tpu.memory_space<hbm>>
      %dma_wait3A_422 = tpu.memref_slice %arg11[%dma_wait3A_411] : memref<2x!tpu.dma_semaphore, #tpu.memory_space<semaphore_mem>> -> memref<1x!tpu.dma_semaphore, #tpu.memory_space<semaphore_mem>>
      %dma_wait3A_423 = tpu.memref_squeeze %dma_wait3A_422 : memref<1x!tpu.dma_semaphore, #tpu.memory_space<semaphore_mem>> -> memref<!tpu.dma_semaphore, #tpu.memory_space<semaphore_mem>>
      tpu.wait_indirect_dma semaphore(%dma_wait3A_423 : memref<!tpu.dma_semaphore, #tpu.memory_space<semaphore_mem>>) src(%dma_wait3A_421 : memref<10000x128xf32, #tpu.memory_space<hbm>>) dst(%dma_wait3A_415 : memref<128x128xf32, #tpu.memory_space<vmem>>)
      %run_scoped3A = arith.constant 0 : i32
      %run_scoped3A_424 = arith.constant 0 : i32
      "tpu.region"() ({
        %run_scoped3A_453 = tpu.sem_alloc : memref<!tpu.dma_semaphore, #tpu.memory_space<semaphore_mem>>
        %dma_start3A_454 = arith.constant 0 : i32
        %dma_start3A_455 = arith.constant 0 : i32
        %dma_start3A_456 = tpu.memref_slice %arg9[%run_scoped3A, %dma_start3A_454, %dma_start3A_455] : memref<2x128x128xf32, #tpu.memory_space<vmem>> -> memref<1x128x128xf32, #tpu.memory_space<vmem>>
        %dma_start3A_457 = tpu.memref_squeeze %dma_start3A_456 : memref<1x128x128xf32, #tpu.memory_space<vmem>> -> memref<128x128xf32, #tpu.memory_space<vmem>>
        %dma_start3A_458 = arith.constant 0 : i32
        %dma_start3A_459 = tpu.memref_slice %arg8[%run_scoped3A_424, %dma_start3A_458] : memref<2x128xi32, #tpu.memory_space<vmem>> -> memref<1x128xi32, #tpu.memory_space<vmem>>
        %dma_start3A_460 = tpu.memref_squeeze %dma_start3A_459 : memref<1x128xi32, #tpu.memory_space<vmem>> -> memref<128xi32, #tpu.memory_space<vmem>>
        %dma_start3A_461 = arith.constant 0 : i32
        %dma_start3A_462 = arith.constant 0 : i32
        %dma_start3A_463 = tpu.memref_slice %arg10[%dma_start3A_461, %dma_start3A_462] : memref<10112x128xf32, #tpu.memory_space<vmem_shared>> -> memref<10112x128xf32, #tpu.memory_space<vmem_shared>>
        tpu.enqueue_indirect_dma source(%dma_start3A_457 : memref<128x128xf32, #tpu.memory_space<vmem>>) target(%dma_start3A_463 : memref<10112x128xf32, #tpu.memory_space<vmem_shared>>) offsets(%dma_start3A_460 : memref<128xi32, #tpu.memory_space<vmem>>) semaphore(%run_scoped3A_453 : memref<!tpu.dma_semaphore, #tpu.memory_space<semaphore_mem>>) {add = true}
        %dma_wait3A_464 = arith.constant 0 : i32
        %dma_wait3A_465 = arith.constant 0 : i32
        %dma_wait3A_466 = tpu.memref_slice %arg9[%run_scoped3A, %dma_wait3A_464, %dma_wait3A_465] : memref<2x128x128xf32, #tpu.memory_space<vmem>> -> memref<1x128x128xf32, #tpu.memory_space<vmem>>
        %dma_wait3A_467 = tpu.memref_squeeze %dma_wait3A_466 : memref<1x128x128xf32, #tpu.memory_space<vmem>> -> memref<128x128xf32, #tpu.memory_space<vmem>>
        %dma_wait3A_468 = arith.constant 0 : i32
        %dma_wait3A_469 = tpu.memref_slice %arg8[%run_scoped3A_424, %dma_wait3A_468] : memref<2x128xi32, #tpu.memory_space<vmem>> -> memref<1x128xi32, #tpu.memory_space<vmem>>
        %dma_wait3A_470 = tpu.memref_squeeze %dma_wait3A_469 : memref<1x128xi32, #tpu.memory_space<vmem>> -> memref<128xi32, #tpu.memory_space<vmem>>
        %dma_wait3A_471 = arith.constant 0 : i32
        %dma_wait3A_472 = arith.constant 0 : i32
        %dma_wait3A_473 = tpu.memref_slice %arg10[%dma_wait3A_471, %dma_wait3A_472] : memref<10112x128xf32, #tpu.memory_space<vmem_shared>> -> memref<10112x128xf32, #tpu.memory_space<vmem_shared>>
        tpu.wait_indirect_dma semaphore(%run_scoped3A_453 : memref<!tpu.dma_semaphore, #tpu.memory_space<semaphore_mem>>) src(%dma_wait3A_467 : memref<128x128xf32, #tpu.memory_space<vmem>>) dst(%dma_wait3A_473 : memref<10112x128xf32, #tpu.memory_space<vmem_shared>>)
        tpu.yield
      }) : () -> ()
      %lt3A = arith.constant 39 : i32
      %lt3A_425 = arith.cmpi slt, %scan3A_406, %lt3A : i32
      %convert_element_type3A = arith.extui %lt3A_425 : i1 to i32
      %cond3A = arith.constant 0 : i32
      %cond3A_426 = arith.cmpi ne, %convert_element_type3A, %cond3A : i32
      scf.if %cond3A_426 {
        %add3A_453 = arith.constant 2 : i32
        %add3A_454 = arith.addi %add3A_409, %add3A_453 : i32
        %get3A_455 = arith.index_cast %add3A_454 : i32 to index
        %get3A_456 = arith.constant 0 : index
        %get3A_457 = tpu.vector_load %arg6[%get3A_455, %get3A_456] {strides = array<i32>} : memref<80x128xi32, #tpu.memory_space<vmem>>, vector<1x16xi32>,
        %get3A_458 = vector.shape_cast %get3A_457 : vector<1x16xi32> to vector<16xi32>
        %and3A_459 = arith.constant 65535 : i32
        %and3A_460 = vector.broadcast %and3A_459 : i32 to vector<16xi32>
        %and3A_461 = arith.andi %get3A_458, %and3A_460 : vector<16xi32>
        %swap3A_462 = arith.constant 0 : i32
        %swap3A_463 = arith.index_cast %swap3A_462 : i32 to index
        %swap3A_464 = arith.constant 0 : index
        %swap3A_465 = tpu.vector_load %arg7[%swap3A_463, %swap3A_464] {strides = array<i32>} : memref<2x128xi32, #tpu.memory_space<vmem>>, vector<1x16xi32>,
        %swap3A_466 = vector.shape_cast %swap3A_465 : vector<1x16xi32> to vector<16xi32>
        %swap3A_467 = vector.shape_cast %and3A_461 : vector<16xi32> to vector<1x16xi32>
        tpu.vector_store %arg7[%swap3A_463, %swap3A_464], %swap3A_467 {strides = array<i32>} : memref<2x128xi32, #tpu.memory_space<vmem>>, vector<1x16xi32>,
        %shift_right_logical3A_468 = arith.constant 16 : i32
        %shift_right_logical3A_469 = vector.broadcast %shift_right_logical3A_468 : i32 to vector<16xi32>
        %shift_right_logical3A_470 = arith.shrui %get3A_458, %shift_right_logical3A_469 : vector<16xi32>
        %swap3A_471 = arith.constant 0 : i32
        %swap3A_472 = arith.index_cast %swap3A_471 : i32 to index
        %swap3A_473 = arith.constant 0 : index
        %swap3A_474 = tpu.vector_load %arg8[%swap3A_472, %swap3A_473] {strides = array<i32>} : memref<2x128xi32, #tpu.memory_space<vmem>>, vector<1x16xi32>,
        %swap3A_475 = vector.shape_cast %swap3A_474 : vector<1x16xi32> to vector<16xi32>
        %swap3A_476 = vector.shape_cast %shift_right_logical3A_470 : vector<16xi32> to vector<1x16xi32>
        tpu.vector_store %arg8[%swap3A_472, %swap3A_473], %swap3A_476 {strides = array<i32>} : memref<2x128xi32, #tpu.memory_space<vmem>>, vector<1x16xi32>,
        %get3A_477 = arith.index_cast %add3A_454 : i32 to index
        %get3A_478 = arith.constant 16 : index
        %get3A_479 = tpu.vector_load %arg6[%get3A_477, %get3A_478] {strides = array<i32>} : memref<80x128xi32, #tpu.memory_space<vmem>>, vector<1x16xi32>,
        %get3A_480 = vector.shape_cast %get3A_479 : vector<1x16xi32> to vector<16xi32>
        %and3A_481 = arith.constant 65535 : i32
        %and3A_482 = vector.broadcast %and3A_481 : i32 to vector<16xi32>
        %and3A_483 = arith.andi %get3A_480, %and3A_482 : vector<16xi32>
        %swap3A_484 = arith.constant 0 : i32
        %swap3A_485 = arith.index_cast %swap3A_484 : i32 to index
        %swap3A_486 = arith.constant 16 : index
        %swap3A_487 = tpu.vector_load %arg7[%swap3A_485, %swap3A_486] {strides = array<i32>} : memref<2x128xi32, #tpu.memory_space<vmem>>, vector<1x16xi32>,
        %swap3A_488 = vector.shape_cast %swap3A_487 : vector<1x16xi32> to vector<16xi32>
        %swap3A_489 = vector.shape_cast %and3A_483 : vector<16xi32> to vector<1x16xi32>
        tpu.vector_store %arg7[%swap3A_485, %swap3A_486], %swap3A_489 {strides = array<i32>} : memref<2x128xi32, #tpu.memory_space<vmem>>, vector<1x16xi32>,
        %shift_right_logical3A_490 = arith.constant 16 : i32
        %shift_right_logical3A_491 = vector.broadcast %shift_right_logical3A_490 : i32 to vector<16xi32>
        %shift_right_logical3A_492 = arith.shrui %get3A_480, %shift_right_logical3A_491 : vector<16xi32>
        %swap3A_493 = arith.constant 0 : i32
        %swap3A_494 = arith.index_cast %swap3A_493 : i32 to index
        %swap3A_495 = arith.constant 16 : index
        %swap3A_496 = tpu.vector_load %arg8[%swap3A_494, %swap3A_495] {strides = array<i32>} : memref<2x128xi32, #tpu.memory_space<vmem>>, vector<1x16xi32>,
        %swap3A_497 = vector.shape_cast %swap3A_496 : vector<1x16xi32> to vector<16xi32>
        %swap3A_498 = vector.shape_cast %shift_right_logical3A_492 : vector<16xi32> to vector<1x16xi32>
        tpu.vector_store %arg8[%swap3A_494, %swap3A_495], %swap3A_498 {strides = array<i32>} : memref<2x128xi32, #tpu.memory_space<vmem>>, vector<1x16xi32>,
        %get3A_499 = arith.index_cast %add3A_454 : i32 to index
        %get3A_500 = arith.constant 32 : index
        %get3A_501 = tpu.vector_load %arg6[%get3A_499, %get3A_500] {strides = array<i32>} : memref<80x128xi32, #tpu.memory_space<vmem>>, vector<1x16xi32>,
        %get3A_502 = vector.shape_cast %get3A_501 : vector<1x16xi32> to vector<16xi32>
        %and3A_503 = arith.constant 65535 : i32
        %and3A_504 = vector.broadcast %and3A_503 : i32 to vector<16xi32>
        %and3A_505 = arith.andi %get3A_502, %and3A_504 : vector<16xi32>
        %swap3A_506 = arith.constant 0 : i32
        %swap3A_507 = arith.index_cast %swap3A_506 : i32 to index
        %swap3A_508 = arith.constant 32 : index
        %swap3A_509 = tpu.vector_load %arg7[%swap3A_507, %swap3A_508] {strides = array<i32>} : memref<2x128xi32, #tpu.memory_space<vmem>>, vector<1x16xi32>,
        %swap3A_510 = vector.shape_cast %swap3A_509 : vector<1x16xi32> to vector<16xi32>
        %swap3A_511 = vector.shape_cast %and3A_505 : vector<16xi32> to vector<1x16xi32>
        tpu.vector_store %arg7[%swap3A_507, %swap3A_508], %swap3A_511 {strides = array<i32>} : memref<2x128xi32, #tpu.memory_space<vmem>>, vector<1x16xi32>,
        %shift_right_logical3A_512 = arith.constant 16 : i32
        %shift_right_logical3A_513 = vector.broadcast %shift_right_logical3A_512 : i32 to vector<16xi32>
        %shift_right_logical3A_514 = arith.shrui %get3A_502, %shift_right_logical3A_513 : vector<16xi32>
        %swap3A_515 = arith.constant 0 : i32
        %swap3A_516 = arith.index_cast %swap3A_515 : i32 to index
        %swap3A_517 = arith.constant 32 : index
        %swap3A_518 = tpu.vector_load %arg8[%swap3A_516, %swap3A_517] {strides = array<i32>} : memref<2x128xi32, #tpu.memory_space<vmem>>, vector<1x16xi32>,
        %swap3A_519 = vector.shape_cast %swap3A_518 : vector<1x16xi32> to vector<16xi32>
        %swap3A_520 = vector.shape_cast %shift_right_logical3A_514 : vector<16xi32> to vector<1x16xi32>
        tpu.vector_store %arg8[%swap3A_516, %swap3A_517], %swap3A_520 {strides = array<i32>} : memref<2x128xi32, #tpu.memory_space<vmem>>, vector<1x16xi32>,
        %get3A_521 = arith.index_cast %add3A_454 : i32 to index
        %get3A_522 = arith.constant 48 : index
        %get3A_523 = tpu.vector_load %arg6[%get3A_521, %get3A_522] {strides = array<i32>} : memref<80x128xi32, #tpu.memory_space<vmem>>, vector<1x16xi32>,
        %get3A_524 = vector.shape_cast %get3A_523 : vector<1x16xi32> to vector<16xi32>
        %and3A_525 = arith.constant 65535 : i32
        %and3A_526 = vector.broadcast %and3A_525 : i32 to vector<16xi32>
        %and3A_527 = arith.andi %get3A_524, %and3A_526 : vector<16xi32>
        %swap3A_528 = arith.constant 0 : i32
        %swap3A_529 = arith.index_cast %swap3A_528 : i32 to index
        %swap3A_530 = arith.constant 48 : index
        %swap3A_531 = tpu.vector_load %arg7[%swap3A_529, %swap3A_530] {strides = array<i32>} : memref<2x128xi32, #tpu.memory_space<vmem>>, vector<1x16xi32>,
        %swap3A_532 = vector.shape_cast %swap3A_531 : vector<1x16xi32> to vector<16xi32>
        %swap3A_533 = vector.shape_cast %and3A_527 : vector<16xi32> to vector<1x16xi32>
        tpu.vector_store %arg7[%swap3A_529, %swap3A_530], %swap3A_533 {strides = array<i32>} : memref<2x128xi32, #tpu.memory_space<vmem>>, vector<1x16xi32>,
        %shift_right_logical3A_534 = arith.constant 16 : i32
        %shift_right_logical3A_535 = vector.broadcast %shift_right_logical3A_534 : i32 to vector<16xi32>
        %shift_right_logical3A_536 = arith.shrui %get3A_524, %shift_right_logical3A_535 : vector<16xi32>
        %swap3A_537 = arith.constant 0 : i32
        %swap3A_538 = arith.index_cast %swap3A_537 : i32 to index
        %swap3A_539 = arith.constant 48 : index
        %swap3A_540 = tpu.vector_load %arg8[%swap3A_538, %swap3A_539] {strides = array<i32>} : memref<2x128xi32, #tpu.memory_space<vmem>>, vector<1x16xi32>,
        %swap3A_541 = vector.shape_cast %swap3A_540 : vector<1x16xi32> to vector<16xi32>
        %swap3A_542 = vector.shape_cast %shift_right_logical3A_536 : vector<16xi32> to vector<1x16xi32>
        tpu.vector_store %arg8[%swap3A_538, %swap3A_539], %swap3A_542 {strides = array<i32>} : memref<2x128xi32, #tpu.memory_space<vmem>>, vector<1x16xi32>,
        %get3A_543 = arith.index_cast %add3A_454 : i32 to index
        %get3A_544 = arith.constant 64 : index
        %get3A_545 = tpu.vector_load %arg6[%get3A_543, %get3A_544] {strides = array<i32>} : memref<80x128xi32, #tpu.memory_space<vmem>>, vector<1x16xi32>,
        %get3A_546 = vector.shape_cast %get3A_545 : vector<1x16xi32> to vector<16xi32>
        %and3A_547 = arith.constant 65535 : i32
        %and3A_548 = vector.broadcast %and3A_547 : i32 to vector<16xi32>
        %and3A_549 = arith.andi %get3A_546, %and3A_548 : vector<16xi32>
        %swap3A_550 = arith.constant 0 : i32
        %swap3A_551 = arith.index_cast %swap3A_550 : i32 to index
        %swap3A_552 = arith.constant 64 : index
        %swap3A_553 = tpu.vector_load %arg7[%swap3A_551, %swap3A_552] {strides = array<i32>} : memref<2x128xi32, #tpu.memory_space<vmem>>, vector<1x16xi32>,
        %swap3A_554 = vector.shape_cast %swap3A_553 : vector<1x16xi32> to vector<16xi32>
        %swap3A_555 = vector.shape_cast %and3A_549 : vector<16xi32> to vector<1x16xi32>
        tpu.vector_store %arg7[%swap3A_551, %swap3A_552], %swap3A_555 {strides = array<i32>} : memref<2x128xi32, #tpu.memory_space<vmem>>, vector<1x16xi32>,
        %shift_right_logical3A_556 = arith.constant 16 : i32
        %shift_right_logical3A_557 = vector.broadcast %shift_right_logical3A_556 : i32 to vector<16xi32>
        %shift_right_logical3A_558 = arith.shrui %get3A_546, %shift_right_logical3A_557 : vector<16xi32>
        %swap3A_559 = arith.constant 0 : i32
        %swap3A_560 = arith.index_cast %swap3A_559 : i32 to index
        %swap3A_561 = arith.constant 64 : index
        %swap3A_562 = tpu.vector_load %arg8[%swap3A_560, %swap3A_561] {strides = array<i32>} : memref<2x128xi32, #tpu.memory_space<vmem>>, vector<1x16xi32>,
        %swap3A_563 = vector.shape_cast %swap3A_562 : vector<1x16xi32> to vector<16xi32>
        %swap3A_564 = vector.shape_cast %shift_right_logical3A_558 : vector<16xi32> to vector<1x16xi32>
        tpu.vector_store %arg8[%swap3A_560, %swap3A_561], %swap3A_564 {strides = array<i32>} : memref<2x128xi32, #tpu.memory_space<vmem>>, vector<1x16xi32>,
        %get3A_565 = arith.index_cast %add3A_454 : i32 to index
        %get3A_566 = arith.constant 80 : index
        %get3A_567 = tpu.vector_load %arg6[%get3A_565, %get3A_566] {strides = array<i32>} : memref<80x128xi32, #tpu.memory_space<vmem>>, vector<1x16xi32>,
        %get3A_568 = vector.shape_cast %get3A_567 : vector<1x16xi32> to vector<16xi32>
        %and3A_569 = arith.constant 65535 : i32
        %and3A_570 = vector.broadcast %and3A_569 : i32 to vector<16xi32>
        %and3A_571 = arith.andi %get3A_568, %and3A_570 : vector<16xi32>
        %swap3A_572 = arith.constant 0 : i32
        %swap3A_573 = arith.index_cast %swap3A_572 : i32 to index
        %swap3A_574 = arith.constant 80 : index
        %swap3A_575 = tpu.vector_load %arg7[%swap3A_573, %swap3A_574] {strides = array<i32>} : memref<2x128xi32, #tpu.memory_space<vmem>>, vector<1x16xi32>,
        %swap3A_576 = vector.shape_cast %swap3A_575 : vector<1x16xi32> to vector<16xi32>
        %swap3A_577 = vector.shape_cast %and3A_571 : vector<16xi32> to vector<1x16xi32>
        tpu.vector_store %arg7[%swap3A_573, %swap3A_574], %swap3A_577 {strides = array<i32>} : memref<2x128xi32, #tpu.memory_space<vmem>>, vector<1x16xi32>,
        %shift_right_logical3A_578 = arith.constant 16 : i32
        %shift_right_logical3A_579 = vector.broadcast %shift_right_logical3A_578 : i32 to vector<16xi32>
        %shift_right_logical3A_580 = arith.shrui %get3A_568, %shift_right_logical3A_579 : vector<16xi32>
        %swap3A_581 = arith.constant 0 : i32
        %swap3A_582 = arith.index_cast %swap3A_581 : i32 to index
        %swap3A_583 = arith.constant 80 : index
        %swap3A_584 = tpu.vector_load %arg8[%swap3A_582, %swap3A_583] {strides = array<i32>} : memref<2x128xi32, #tpu.memory_space<vmem>>, vector<1x16xi32>,
        %swap3A_585 = vector.shape_cast %swap3A_584 : vector<1x16xi32> to vector<16xi32>
        %swap3A_586 = vector.shape_cast %shift_right_logical3A_580 : vector<16xi32> to vector<1x16xi32>
        tpu.vector_store %arg8[%swap3A_582, %swap3A_583], %swap3A_586 {strides = array<i32>} : memref<2x128xi32, #tpu.memory_space<vmem>>, vector<1x16xi32>,
        %get3A_587 = arith.index_cast %add3A_454 : i32 to index
        %get3A_588 = arith.constant 96 : index
        %get3A_589 = tpu.vector_load %arg6[%get3A_587, %get3A_588] {strides = array<i32>} : memref<80x128xi32, #tpu.memory_space<vmem>>, vector<1x16xi32>,
        %get3A_590 = vector.shape_cast %get3A_589 : vector<1x16xi32> to vector<16xi32>
        %and3A_591 = arith.constant 65535 : i32
        %and3A_592 = vector.broadcast %and3A_591 : i32 to vector<16xi32>
        %and3A_593 = arith.andi %get3A_590, %and3A_592 : vector<16xi32>
        %swap3A_594 = arith.constant 0 : i32
        %swap3A_595 = arith.index_cast %swap3A_594 : i32 to index
        %swap3A_596 = arith.constant 96 : index
        %swap3A_597 = tpu.vector_load %arg7[%swap3A_595, %swap3A_596] {strides = array<i32>} : memref<2x128xi32, #tpu.memory_space<vmem>>, vector<1x16xi32>,
        %swap3A_598 = vector.shape_cast %swap3A_597 : vector<1x16xi32> to vector<16xi32>
        %swap3A_599 = vector.shape_cast %and3A_593 : vector<16xi32> to vector<1x16xi32>
        tpu.vector_store %arg7[%swap3A_595, %swap3A_596], %swap3A_599 {strides = array<i32>} : memref<2x128xi32, #tpu.memory_space<vmem>>, vector<1x16xi32>,
        %shift_right_logical3A_600 = arith.constant 16 : i32
        %shift_right_logical3A_601 = vector.broadcast %shift_right_logical3A_600 : i32 to vector<16xi32>
        %shift_right_logical3A_602 = arith.shrui %get3A_590, %shift_right_logical3A_601 : vector<16xi32>
        %swap3A_603 = arith.constant 0 : i32
        %swap3A_604 = arith.index_cast %swap3A_603 : i32 to index
        %swap3A_605 = arith.constant 96 : index
        %swap3A_606 = tpu.vector_load %arg8[%swap3A_604, %swap3A_605] {strides = array<i32>} : memref<2x128xi32, #tpu.memory_space<vmem>>, vector<1x16xi32>,
        %swap3A_607 = vector.shape_cast %swap3A_606 : vector<1x16xi32> to vector<16xi32>
        %swap3A_608 = vector.shape_cast %shift_right_logical3A_602 : vector<16xi32> to vector<1x16xi32>
        tpu.vector_store %arg8[%swap3A_604, %swap3A_605], %swap3A_608 {strides = array<i32>} : memref<2x128xi32, #tpu.memory_space<vmem>>, vector<1x16xi32>,
        %get3A_609 = arith.index_cast %add3A_454 : i32 to index
        %get3A_610 = arith.constant 112 : index
        %get3A_611 = tpu.vector_load %arg6[%get3A_609, %get3A_610] {strides = array<i32>} : memref<80x128xi32, #tpu.memory_space<vmem>>, vector<1x16xi32>,
        %get3A_612 = vector.shape_cast %get3A_611 : vector<1x16xi32> to vector<16xi32>
        %and3A_613 = arith.constant 65535 : i32
        %and3A_614 = vector.broadcast %and3A_613 : i32 to vector<16xi32>
        %and3A_615 = arith.andi %get3A_612, %and3A_614 : vector<16xi32>
        %swap3A_616 = arith.constant 0 : i32
        %swap3A_617 = arith.index_cast %swap3A_616 : i32 to index
        %swap3A_618 = arith.constant 112 : index
        %swap3A_619 = tpu.vector_load %arg7[%swap3A_617, %swap3A_618] {strides = array<i32>} : memref<2x128xi32, #tpu.memory_space<vmem>>, vector<1x16xi32>,
        %swap3A_620 = vector.shape_cast %swap3A_619 : vector<1x16xi32> to vector<16xi32>
        %swap3A_621 = vector.shape_cast %and3A_615 : vector<16xi32> to vector<1x16xi32>
        tpu.vector_store %arg7[%swap3A_617, %swap3A_618], %swap3A_621 {strides = array<i32>} : memref<2x128xi32, #tpu.memory_space<vmem>>, vector<1x16xi32>,
        %shift_right_logical3A_622 = arith.constant 16 : i32
        %shift_right_logical3A_623 = vector.broadcast %shift_right_logical3A_622 : i32 to vector<16xi32>
        %shift_right_logical3A_624 = arith.shrui %get3A_612, %shift_right_logical3A_623 : vector<16xi32>
        %swap3A_625 = arith.constant 0 : i32
        %swap3A_626 = arith.index_cast %swap3A_625 : i32 to index
        %swap3A_627 = arith.constant 112 : index
        %swap3A_628 = tpu.vector_load %arg8[%swap3A_626, %swap3A_627] {strides = array<i32>} : memref<2x128xi32, #tpu.memory_space<vmem>>, vector<1x16xi32>,
        %swap3A_629 = vector.shape_cast %swap3A_628 : vector<1x16xi32> to vector<16xi32>
        %swap3A_630 = vector.shape_cast %shift_right_logical3A_624 : vector<16xi32> to vector<1x16xi32>
        tpu.vector_store %arg8[%swap3A_626, %swap3A_627], %swap3A_630 {strides = array<i32>} : memref<2x128xi32, #tpu.memory_space<vmem>>, vector<1x16xi32>,
        %dma_start3A_631 = arith.constant 0 : i32
        %dma_start3A_632 = arith.constant 0 : i32
        %dma_start3A_633 = arith.constant 0 : i32
        %dma_start3A_634 = arith.constant 0 : i32
        %dma_start3A_635 = arith.constant 0 : i32
        %dma_start3A_636 = tpu.memref_slice %arg9[%dma_start3A_632, %dma_start3A_634, %dma_start3A_635] : memref<2x128x128xf32, #tpu.memory_space<vmem>> -> memref<1x128x128xf32, #tpu.memory_space<vmem>>
        %dma_start3A_637 = tpu.memref_squeeze %dma_start3A_636 : memref<1x128x128xf32, #tpu.memory_space<vmem>> -> memref<128x128xf32, #tpu.memory_space<vmem>>
        %dma_start3A_638 = arith.constant 0 : i32
        %dma_start3A_639 = tpu.memref_slice %arg7[%dma_start3A_631, %dma_start3A_638] : memref<2x128xi32, #tpu.memory_space<vmem>> -> memref<1x128xi32, #tpu.memory_space<vmem>>
        %dma_start3A_640 = tpu.memref_squeeze %dma_start3A_639 : memref<1x128xi32, #tpu.memory_space<vmem>> -> memref<128xi32, #tpu.memory_space<vmem>>
        %dma_start3A_641 = arith.constant 0 : i32
        %dma_start3A_642 = arith.constant 0 : i32
        %dma_start3A_643 = tpu.memref_slice %arg2[%dma_start3A_641, %dma_start3A_642] : memref<10000x128xf32, #tpu.memory_space<hbm>> -> memref<10000x128xf32, #tpu.memory_space<hbm>>
        %dma_start3A_644 = tpu.memref_slice %arg11[%dma_start3A_633] : memref<2x!tpu.dma_semaphore, #tpu.memory_space<semaphore_mem>> -> memref<1x!tpu.dma_semaphore, #tpu.memory_space<semaphore_mem>>
        %dma_start3A_645 = tpu.memref_squeeze %dma_start3A_644 : memref<1x!tpu.dma_semaphore, #tpu.memory_space<semaphore_mem>> -> memref<!tpu.dma_semaphore, #tpu.memory_space<semaphore_mem>>
        tpu.enqueue_indirect_dma source(%dma_start3A_643 : memref<10000x128xf32, #tpu.memory_space<hbm>>) target(%dma_start3A_637 : memref<128x128xf32, #tpu.memory_space<vmem>>) offsets(%dma_start3A_640 : memref<128xi32, #tpu.memory_space<vmem>>) semaphore(%dma_start3A_645 : memref<!tpu.dma_semaphore, #tpu.memory_space<semaphore_mem>>)
      } else {
      }
      %mul3A_427 = arith.constant 2 : i32
      %mul3A_428 = arith.muli %scan3A_406, %mul3A_427 : i32
      %add3A_429 = arith.constant 1 : i32
      %add3A_430 = arith.addi %mul3A_428, %add3A_429 : i32
      %dma_wait3A_431 = arith.constant 1 : i32
      %dma_wait3A_432 = arith.constant 1 : i32
      %dma_wait3A_433 = arith.constant 1 : i32
      %dma_wait3A_434 = arith.constant 0 : i32
      %dma_wait3A_435 = arith.constant 0 : i32
      %dma_wait3A_436 = tpu.memref_slice %arg9[%dma_wait3A_432, %dma_wait3A_434, %dma_wait3A_435] : memref<2x128x128xf32, #tpu.memory_space<vmem>> -> memref<1x128x128xf32, #tpu.memory_space<vmem>>
      %dma_wait3A_437 = tpu.memref_squeeze %dma_wait3A_436 : memref<1x128x128xf32, #tpu.memory_space<vmem>> -> memref<128x128xf32, #tpu.memory_space<vmem>>
      %dma_wait3A_438 = arith.constant 0 : i32
      %dma_wait3A_439 = tpu.memref_slice %arg7[%dma_wait3A_431, %dma_wait3A_438] : memref<2x128xi32, #tpu.memory_space<vmem>> -> memref<1x128xi32, #tpu.memory_space<vmem>>
      %dma_wait3A_440 = tpu.memref_squeeze %dma_wait3A_439 : memref<1x128xi32, #tpu.memory_space<vmem>> -> memref<128xi32, #tpu.memory_space<vmem>>
      %dma_wait3A_441 = arith.constant 0 : i32
      %dma_wait3A_442 = arith.constant 0 : i32
      %dma_wait3A_443 = tpu.memref_slice %arg2[%dma_wait3A_441, %dma_wait3A_442] : memref<10000x128xf32, #tpu.memory_space<hbm>> -> memref<10000x128xf32, #tpu.memory_space<hbm>>
      %dma_wait3A_444 = tpu.memref_slice %arg11[%dma_wait3A_433] : memref<2x!tpu.dma_semaphore, #tpu.memory_space<semaphore_mem>> -> memref<1x!tpu.dma_semaphore, #tpu.memory_space<semaphore_mem>>
      %dma_wait3A_445 = tpu.memref_squeeze %dma_wait3A_444 : memref<1x!tpu.dma_semaphore, #tpu.memory_space<semaphore_mem>> -> memref<!tpu.dma_semaphore, #tpu.memory_space<semaphore_mem>>
      tpu.wait_indirect_dma semaphore(%dma_wait3A_445 : memref<!tpu.dma_semaphore, #tpu.memory_space<semaphore_mem>>) src(%dma_wait3A_443 : memref<10000x128xf32, #tpu.memory_space<hbm>>) dst(%dma_wait3A_437 : memref<128x128xf32, #tpu.memory_space<vmem>>)
      %run_scoped3A_446 = arith.constant 1 : i32
      %run_scoped3A_447 = arith.constant 1 : i32
      "tpu.region"() ({
        %run_scoped3A_453 = tpu.sem_alloc : memref<!tpu.dma_semaphore, #tpu.memory_space<semaphore_mem>>
        %dma_start3A_454 = arith.constant 0 : i32
        %dma_start3A_455 = arith.constant 0 : i32
        %dma_start3A_456 = tpu.memref_slice %arg9[%run_scoped3A_446, %dma_start3A_454, %dma_start3A_455] : memref<2x128x128xf32, #tpu.memory_space<vmem>> -> memref<1x128x128xf32, #tpu.memory_space<vmem>>
        %dma_start3A_457 = tpu.memref_squeeze %dma_start3A_456 : memref<1x128x128xf32, #tpu.memory_space<vmem>> -> memref<128x128xf32, #tpu.memory_space<vmem>>
        %dma_start3A_458 = arith.constant 0 : i32
        %dma_start3A_459 = tpu.memref_slice %arg8[%run_scoped3A_447, %dma_start3A_458] : memref<2x128xi32, #tpu.memory_space<vmem>> -> memref<1x128xi32, #tpu.memory_space<vmem>>
        %dma_start3A_460 = tpu.memref_squeeze %dma_start3A_459 : memref<1x128xi32, #tpu.memory_space<vmem>> -> memref<128xi32, #tpu.memory_space<vmem>>
        %dma_start3A_461 = arith.constant 0 : i32
        %dma_start3A_462 = arith.constant 0 : i32
        %dma_start3A_463 = tpu.memref_slice %arg10[%dma_start3A_461, %dma_start3A_462] : memref<10112x128xf32, #tpu.memory_space<vmem_shared>> -> memref<10112x128xf32, #tpu.memory_space<vmem_shared>>
        tpu.enqueue_indirect_dma source(%dma_start3A_457 : memref<128x128xf32, #tpu.memory_space<vmem>>) target(%dma_start3A_463 : memref<10112x128xf32, #tpu.memory_space<vmem_shared>>) offsets(%dma_start3A_460 : memref<128xi32, #tpu.memory_space<vmem>>) semaphore(%run_scoped3A_453 : memref<!tpu.dma_semaphore, #tpu.memory_space<semaphore_mem>>) {add = true}
        %dma_wait3A_464 = arith.constant 0 : i32
        %dma_wait3A_465 = arith.constant 0 : i32
        %dma_wait3A_466 = tpu.memref_slice %arg9[%run_scoped3A_446, %dma_wait3A_464, %dma_wait3A_465] : memref<2x128x128xf32, #tpu.memory_space<vmem>> -> memref<1x128x128xf32, #tpu.memory_space<vmem>>
        %dma_wait3A_467 = tpu.memref_squeeze %dma_wait3A_466 : memref<1x128x128xf32, #tpu.memory_space<vmem>> -> memref<128x128xf32, #tpu.memory_space<vmem>>
        %dma_wait3A_468 = arith.constant 0 : i32
        %dma_wait3A_469 = tpu.memref_slice %arg8[%run_scoped3A_447, %dma_wait3A_468] : memref<2x128xi32, #tpu.memory_space<vmem>> -> memref<1x128xi32, #tpu.memory_space<vmem>>
        %dma_wait3A_470 = tpu.memref_squeeze %dma_wait3A_469 : memref<1x128xi32, #tpu.memory_space<vmem>> -> memref<128xi32, #tpu.memory_space<vmem>>
        %dma_wait3A_471 = arith.constant 0 : i32
        %dma_wait3A_472 = arith.constant 0 : i32
        %dma_wait3A_473 = tpu.memref_slice %arg10[%dma_wait3A_471, %dma_wait3A_472] : memref<10112x128xf32, #tpu.memory_space<vmem_shared>> -> memref<10112x128xf32, #tpu.memory_space<vmem_shared>>
        tpu.wait_indirect_dma semaphore(%run_scoped3A_453 : memref<!tpu.dma_semaphore, #tpu.memory_space<semaphore_mem>>) src(%dma_wait3A_467 : memref<128x128xf32, #tpu.memory_space<vmem>>) dst(%dma_wait3A_473 : memref<10112x128xf32, #tpu.memory_space<vmem_shared>>)
        tpu.yield
      }) : () -> ()
      %lt3A_448 = arith.constant 39 : i32
      %lt3A_449 = arith.cmpi slt, %scan3A_406, %lt3A_448 : i32
      %convert_element_type3A_450 = arith.extui %lt3A_449 : i1 to i32
      %cond3A_451 = arith.constant 0 : i32
      %cond3A_452 = arith.cmpi ne, %convert_element_type3A_450, %cond3A_451 : i32
      scf.if %cond3A_452 {
        %add3A_453 = arith.constant 2 : i32
        %add3A_454 = arith.addi %add3A_430, %add3A_453 : i32
        %get3A_455 = arith.index_cast %add3A_454 : i32 to index
        %get3A_456 = arith.constant 0 : index
        %get3A_457 = tpu.vector_load %arg6[%get3A_455, %get3A_456] {strides = array<i32>} : memref<80x128xi32, #tpu.memory_space<vmem>>, vector<1x16xi32>,
        %get3A_458 = vector.shape_cast %get3A_457 : vector<1x16xi32> to vector<16xi32>
        %and3A_459 = arith.constant 65535 : i32
        %and3A_460 = vector.broadcast %and3A_459 : i32 to vector<16xi32>
        %and3A_461 = arith.andi %get3A_458, %and3A_460 : vector<16xi32>
        %swap3A_462 = arith.constant 1 : i32
        %swap3A_463 = arith.index_cast %swap3A_462 : i32 to index
        %swap3A_464 = arith.constant 0 : index
        %swap3A_465 = tpu.vector_load %arg7[%swap3A_463, %swap3A_464] {strides = array<i32>} : memref<2x128xi32, #tpu.memory_space<vmem>>, vector<1x16xi32>,
        %swap3A_466 = vector.shape_cast %swap3A_465 : vector<1x16xi32> to vector<16xi32>
        %swap3A_467 = vector.shape_cast %and3A_461 : vector<16xi32> to vector<1x16xi32>
        tpu.vector_store %arg7[%swap3A_463, %swap3A_464], %swap3A_467 {strides = array<i32>} : memref<2x128xi32, #tpu.memory_space<vmem>>, vector<1x16xi32>,
        %shift_right_logical3A_468 = arith.constant 16 : i32
        %shift_right_logical3A_469 = vector.broadcast %shift_right_logical3A_468 : i32 to vector<16xi32>
        %shift_right_logical3A_470 = arith.shrui %get3A_458, %shift_right_logical3A_469 : vector<16xi32>
        %swap3A_471 = arith.constant 1 : i32
        %swap3A_472 = arith.index_cast %swap3A_471 : i32 to index
        %swap3A_473 = arith.constant 0 : index
        %swap3A_474 = tpu.vector_load %arg8[%swap3A_472, %swap3A_473] {strides = array<i32>} : memref<2x128xi32, #tpu.memory_space<vmem>>, vector<1x16xi32>,
        %swap3A_475 = vector.shape_cast %swap3A_474 : vector<1x16xi32> to vector<16xi32>
        %swap3A_476 = vector.shape_cast %shift_right_logical3A_470 : vector<16xi32> to vector<1x16xi32>
        tpu.vector_store %arg8[%swap3A_472, %swap3A_473], %swap3A_476 {strides = array<i32>} : memref<2x128xi32, #tpu.memory_space<vmem>>, vector<1x16xi32>,
        %get3A_477 = arith.index_cast %add3A_454 : i32 to index
        %get3A_478 = arith.constant 16 : index
        %get3A_479 = tpu.vector_load %arg6[%get3A_477, %get3A_478] {strides = array<i32>} : memref<80x128xi32, #tpu.memory_space<vmem>>, vector<1x16xi32>,
        %get3A_480 = vector.shape_cast %get3A_479 : vector<1x16xi32> to vector<16xi32>
        %and3A_481 = arith.constant 65535 : i32
        %and3A_482 = vector.broadcast %and3A_481 : i32 to vector<16xi32>
        %and3A_483 = arith.andi %get3A_480, %and3A_482 : vector<16xi32>
        %swap3A_484 = arith.constant 1 : i32
        %swap3A_485 = arith.index_cast %swap3A_484 : i32 to index
        %swap3A_486 = arith.constant 16 : index
        %swap3A_487 = tpu.vector_load %arg7[%swap3A_485, %swap3A_486] {strides = array<i32>} : memref<2x128xi32, #tpu.memory_space<vmem>>, vector<1x16xi32>,
        %swap3A_488 = vector.shape_cast %swap3A_487 : vector<1x16xi32> to vector<16xi32>
        %swap3A_489 = vector.shape_cast %and3A_483 : vector<16xi32> to vector<1x16xi32>
        tpu.vector_store %arg7[%swap3A_485, %swap3A_486], %swap3A_489 {strides = array<i32>} : memref<2x128xi32, #tpu.memory_space<vmem>>, vector<1x16xi32>,
        %shift_right_logical3A_490 = arith.constant 16 : i32
        %shift_right_logical3A_491 = vector.broadcast %shift_right_logical3A_490 : i32 to vector<16xi32>
        %shift_right_logical3A_492 = arith.shrui %get3A_480, %shift_right_logical3A_491 : vector<16xi32>
        %swap3A_493 = arith.constant 1 : i32
        %swap3A_494 = arith.index_cast %swap3A_493 : i32 to index
        %swap3A_495 = arith.constant 16 : index
        %swap3A_496 = tpu.vector_load %arg8[%swap3A_494, %swap3A_495] {strides = array<i32>} : memref<2x128xi32, #tpu.memory_space<vmem>>, vector<1x16xi32>,
        %swap3A_497 = vector.shape_cast %swap3A_496 : vector<1x16xi32> to vector<16xi32>
        %swap3A_498 = vector.shape_cast %shift_right_logical3A_492 : vector<16xi32> to vector<1x16xi32>
        tpu.vector_store %arg8[%swap3A_494, %swap3A_495], %swap3A_498 {strides = array<i32>} : memref<2x128xi32, #tpu.memory_space<vmem>>, vector<1x16xi32>,
        %get3A_499 = arith.index_cast %add3A_454 : i32 to index
        %get3A_500 = arith.constant 32 : index
        %get3A_501 = tpu.vector_load %arg6[%get3A_499, %get3A_500] {strides = array<i32>} : memref<80x128xi32, #tpu.memory_space<vmem>>, vector<1x16xi32>,
        %get3A_502 = vector.shape_cast %get3A_501 : vector<1x16xi32> to vector<16xi32>
        %and3A_503 = arith.constant 65535 : i32
        %and3A_504 = vector.broadcast %and3A_503 : i32 to vector<16xi32>
        %and3A_505 = arith.andi %get3A_502, %and3A_504 : vector<16xi32>
        %swap3A_506 = arith.constant 1 : i32
        %swap3A_507 = arith.index_cast %swap3A_506 : i32 to index
        %swap3A_508 = arith.constant 32 : index
        %swap3A_509 = tpu.vector_load %arg7[%swap3A_507, %swap3A_508] {strides = array<i32>} : memref<2x128xi32, #tpu.memory_space<vmem>>, vector<1x16xi32>,
        %swap3A_510 = vector.shape_cast %swap3A_509 : vector<1x16xi32> to vector<16xi32>
        %swap3A_511 = vector.shape_cast %and3A_505 : vector<16xi32> to vector<1x16xi32>
        tpu.vector_store %arg7[%swap3A_507, %swap3A_508], %swap3A_511 {strides = array<i32>} : memref<2x128xi32, #tpu.memory_space<vmem>>, vector<1x16xi32>,
        %shift_right_logical3A_512 = arith.constant 16 : i32
        %shift_right_logical3A_513 = vector.broadcast %shift_right_logical3A_512 : i32 to vector<16xi32>
        %shift_right_logical3A_514 = arith.shrui %get3A_502, %shift_right_logical3A_513 : vector<16xi32>
        %swap3A_515 = arith.constant 1 : i32
        %swap3A_516 = arith.index_cast %swap3A_515 : i32 to index
        %swap3A_517 = arith.constant 32 : index
        %swap3A_518 = tpu.vector_load %arg8[%swap3A_516, %swap3A_517] {strides = array<i32>} : memref<2x128xi32, #tpu.memory_space<vmem>>, vector<1x16xi32>,
        %swap3A_519 = vector.shape_cast %swap3A_518 : vector<1x16xi32> to vector<16xi32>
        %swap3A_520 = vector.shape_cast %shift_right_logical3A_514 : vector<16xi32> to vector<1x16xi32>
        tpu.vector_store %arg8[%swap3A_516, %swap3A_517], %swap3A_520 {strides = array<i32>} : memref<2x128xi32, #tpu.memory_space<vmem>>, vector<1x16xi32>,
        %get3A_521 = arith.index_cast %add3A_454 : i32 to index
        %get3A_522 = arith.constant 48 : index
        %get3A_523 = tpu.vector_load %arg6[%get3A_521, %get3A_522] {strides = array<i32>} : memref<80x128xi32, #tpu.memory_space<vmem>>, vector<1x16xi32>,
        %get3A_524 = vector.shape_cast %get3A_523 : vector<1x16xi32> to vector<16xi32>
        %and3A_525 = arith.constant 65535 : i32
        %and3A_526 = vector.broadcast %and3A_525 : i32 to vector<16xi32>
        %and3A_527 = arith.andi %get3A_524, %and3A_526 : vector<16xi32>
        %swap3A_528 = arith.constant 1 : i32
        %swap3A_529 = arith.index_cast %swap3A_528 : i32 to index
        %swap3A_530 = arith.constant 48 : index
        %swap3A_531 = tpu.vector_load %arg7[%swap3A_529, %swap3A_530] {strides = array<i32>} : memref<2x128xi32, #tpu.memory_space<vmem>>, vector<1x16xi32>,
        %swap3A_532 = vector.shape_cast %swap3A_531 : vector<1x16xi32> to vector<16xi32>
        %swap3A_533 = vector.shape_cast %and3A_527 : vector<16xi32> to vector<1x16xi32>
        tpu.vector_store %arg7[%swap3A_529, %swap3A_530], %swap3A_533 {strides = array<i32>} : memref<2x128xi32, #tpu.memory_space<vmem>>, vector<1x16xi32>,
        %shift_right_logical3A_534 = arith.constant 16 : i32
        %shift_right_logical3A_535 = vector.broadcast %shift_right_logical3A_534 : i32 to vector<16xi32>
        %shift_right_logical3A_536 = arith.shrui %get3A_524, %shift_right_logical3A_535 : vector<16xi32>
        %swap3A_537 = arith.constant 1 : i32
        %swap3A_538 = arith.index_cast %swap3A_537 : i32 to index
        %swap3A_539 = arith.constant 48 : index
        %swap3A_540 = tpu.vector_load %arg8[%swap3A_538, %swap3A_539] {strides = array<i32>} : memref<2x128xi32, #tpu.memory_space<vmem>>, vector<1x16xi32>,
        %swap3A_541 = vector.shape_cast %swap3A_540 : vector<1x16xi32> to vector<16xi32>
        %swap3A_542 = vector.shape_cast %shift_right_logical3A_536 : vector<16xi32> to vector<1x16xi32>
        tpu.vector_store %arg8[%swap3A_538, %swap3A_539], %swap3A_542 {strides = array<i32>} : memref<2x128xi32, #tpu.memory_space<vmem>>, vector<1x16xi32>,
        %get3A_543 = arith.index_cast %add3A_454 : i32 to index
        %get3A_544 = arith.constant 64 : index
        %get3A_545 = tpu.vector_load %arg6[%get3A_543, %get3A_544] {strides = array<i32>} : memref<80x128xi32, #tpu.memory_space<vmem>>, vector<1x16xi32>,
        %get3A_546 = vector.shape_cast %get3A_545 : vector<1x16xi32> to vector<16xi32>
        %and3A_547 = arith.constant 65535 : i32
        %and3A_548 = vector.broadcast %and3A_547 : i32 to vector<16xi32>
        %and3A_549 = arith.andi %get3A_546, %and3A_548 : vector<16xi32>
        %swap3A_550 = arith.constant 1 : i32
        %swap3A_551 = arith.index_cast %swap3A_550 : i32 to index
        %swap3A_552 = arith.constant 64 : index
        %swap3A_553 = tpu.vector_load %arg7[%swap3A_551, %swap3A_552] {strides = array<i32>} : memref<2x128xi32, #tpu.memory_space<vmem>>, vector<1x16xi32>,
        %swap3A_554 = vector.shape_cast %swap3A_553 : vector<1x16xi32> to vector<16xi32>
        %swap3A_555 = vector.shape_cast %and3A_549 : vector<16xi32> to vector<1x16xi32>
        tpu.vector_store %arg7[%swap3A_551, %swap3A_552], %swap3A_555 {strides = array<i32>} : memref<2x128xi32, #tpu.memory_space<vmem>>, vector<1x16xi32>,
        %shift_right_logical3A_556 = arith.constant 16 : i32
        %shift_right_logical3A_557 = vector.broadcast %shift_right_logical3A_556 : i32 to vector<16xi32>
        %shift_right_logical3A_558 = arith.shrui %get3A_546, %shift_right_logical3A_557 : vector<16xi32>
        %swap3A_559 = arith.constant 1 : i32
        %swap3A_560 = arith.index_cast %swap3A_559 : i32 to index
        %swap3A_561 = arith.constant 64 : index
        %swap3A_562 = tpu.vector_load %arg8[%swap3A_560, %swap3A_561] {strides = array<i32>} : memref<2x128xi32, #tpu.memory_space<vmem>>, vector<1x16xi32>,
        %swap3A_563 = vector.shape_cast %swap3A_562 : vector<1x16xi32> to vector<16xi32>
        %swap3A_564 = vector.shape_cast %shift_right_logical3A_558 : vector<16xi32> to vector<1x16xi32>
        tpu.vector_store %arg8[%swap3A_560, %swap3A_561], %swap3A_564 {strides = array<i32>} : memref<2x128xi32, #tpu.memory_space<vmem>>, vector<1x16xi32>,
        %get3A_565 = arith.index_cast %add3A_454 : i32 to index
        %get3A_566 = arith.constant 80 : index
        %get3A_567 = tpu.vector_load %arg6[%get3A_565, %get3A_566] {strides = array<i32>} : memref<80x128xi32, #tpu.memory_space<vmem>>, vector<1x16xi32>,
        %get3A_568 = vector.shape_cast %get3A_567 : vector<1x16xi32> to vector<16xi32>
        %and3A_569 = arith.constant 65535 : i32
        %and3A_570 = vector.broadcast %and3A_569 : i32 to vector<16xi32>
        %and3A_571 = arith.andi %get3A_568, %and3A_570 : vector<16xi32>
        %swap3A_572 = arith.constant 1 : i32
        %swap3A_573 = arith.index_cast %swap3A_572 : i32 to index
        %swap3A_574 = arith.constant 80 : index
        %swap3A_575 = tpu.vector_load %arg7[%swap3A_573, %swap3A_574] {strides = array<i32>} : memref<2x128xi32, #tpu.memory_space<vmem>>, vector<1x16xi32>,
        %swap3A_576 = vector.shape_cast %swap3A_575 : vector<1x16xi32> to vector<16xi32>
        %swap3A_577 = vector.shape_cast %and3A_571 : vector<16xi32> to vector<1x16xi32>
        tpu.vector_store %arg7[%swap3A_573, %swap3A_574], %swap3A_577 {strides = array<i32>} : memref<2x128xi32, #tpu.memory_space<vmem>>, vector<1x16xi32>,
        %shift_right_logical3A_578 = arith.constant 16 : i32
        %shift_right_logical3A_579 = vector.broadcast %shift_right_logical3A_578 : i32 to vector<16xi32>
        %shift_right_logical3A_580 = arith.shrui %get3A_568, %shift_right_logical3A_579 : vector<16xi32>
        %swap3A_581 = arith.constant 1 : i32
        %swap3A_582 = arith.index_cast %swap3A_581 : i32 to index
        %swap3A_583 = arith.constant 80 : index
        %swap3A_584 = tpu.vector_load %arg8[%swap3A_582, %swap3A_583] {strides = array<i32>} : memref<2x128xi32, #tpu.memory_space<vmem>>, vector<1x16xi32>,
        %swap3A_585 = vector.shape_cast %swap3A_584 : vector<1x16xi32> to vector<16xi32>
        %swap3A_586 = vector.shape_cast %shift_right_logical3A_580 : vector<16xi32> to vector<1x16xi32>
        tpu.vector_store %arg8[%swap3A_582, %swap3A_583], %swap3A_586 {strides = array<i32>} : memref<2x128xi32, #tpu.memory_space<vmem>>, vector<1x16xi32>,
        %get3A_587 = arith.index_cast %add3A_454 : i32 to index
        %get3A_588 = arith.constant 96 : index
        %get3A_589 = tpu.vector_load %arg6[%get3A_587, %get3A_588] {strides = array<i32>} : memref<80x128xi32, #tpu.memory_space<vmem>>, vector<1x16xi32>,
        %get3A_590 = vector.shape_cast %get3A_589 : vector<1x16xi32> to vector<16xi32>
        %and3A_591 = arith.constant 65535 : i32
        %and3A_592 = vector.broadcast %and3A_591 : i32 to vector<16xi32>
        %and3A_593 = arith.andi %get3A_590, %and3A_592 : vector<16xi32>
        %swap3A_594 = arith.constant 1 : i32
        %swap3A_595 = arith.index_cast %swap3A_594 : i32 to index
        %swap3A_596 = arith.constant 96 : index
        %swap3A_597 = tpu.vector_load %arg7[%swap3A_595, %swap3A_596] {strides = array<i32>} : memref<2x128xi32, #tpu.memory_space<vmem>>, vector<1x16xi32>,
        %swap3A_598 = vector.shape_cast %swap3A_597 : vector<1x16xi32> to vector<16xi32>
        %swap3A_599 = vector.shape_cast %and3A_593 : vector<16xi32> to vector<1x16xi32>
        tpu.vector_store %arg7[%swap3A_595, %swap3A_596], %swap3A_599 {strides = array<i32>} : memref<2x128xi32, #tpu.memory_space<vmem>>, vector<1x16xi32>,
        %shift_right_logical3A_600 = arith.constant 16 : i32
        %shift_right_logical3A_601 = vector.broadcast %shift_right_logical3A_600 : i32 to vector<16xi32>
        %shift_right_logical3A_602 = arith.shrui %get3A_590, %shift_right_logical3A_601 : vector<16xi32>
        %swap3A_603 = arith.constant 1 : i32
        %swap3A_604 = arith.index_cast %swap3A_603 : i32 to index
        %swap3A_605 = arith.constant 96 : index
        %swap3A_606 = tpu.vector_load %arg8[%swap3A_604, %swap3A_605] {strides = array<i32>} : memref<2x128xi32, #tpu.memory_space<vmem>>, vector<1x16xi32>,
        %swap3A_607 = vector.shape_cast %swap3A_606 : vector<1x16xi32> to vector<16xi32>
        %swap3A_608 = vector.shape_cast %shift_right_logical3A_602 : vector<16xi32> to vector<1x16xi32>
        tpu.vector_store %arg8[%swap3A_604, %swap3A_605], %swap3A_608 {strides = array<i32>} : memref<2x128xi32, #tpu.memory_space<vmem>>, vector<1x16xi32>,
        %get3A_609 = arith.index_cast %add3A_454 : i32 to index
        %get3A_610 = arith.constant 112 : index
        %get3A_611 = tpu.vector_load %arg6[%get3A_609, %get3A_610] {strides = array<i32>} : memref<80x128xi32, #tpu.memory_space<vmem>>, vector<1x16xi32>,
        %get3A_612 = vector.shape_cast %get3A_611 : vector<1x16xi32> to vector<16xi32>
        %and3A_613 = arith.constant 65535 : i32
        %and3A_614 = vector.broadcast %and3A_613 : i32 to vector<16xi32>
        %and3A_615 = arith.andi %get3A_612, %and3A_614 : vector<16xi32>
        %swap3A_616 = arith.constant 1 : i32
        %swap3A_617 = arith.index_cast %swap3A_616 : i32 to index
        %swap3A_618 = arith.constant 112 : index
        %swap3A_619 = tpu.vector_load %arg7[%swap3A_617, %swap3A_618] {strides = array<i32>} : memref<2x128xi32, #tpu.memory_space<vmem>>, vector<1x16xi32>,
        %swap3A_620 = vector.shape_cast %swap3A_619 : vector<1x16xi32> to vector<16xi32>
        %swap3A_621 = vector.shape_cast %and3A_615 : vector<16xi32> to vector<1x16xi32>
        tpu.vector_store %arg7[%swap3A_617, %swap3A_618], %swap3A_621 {strides = array<i32>} : memref<2x128xi32, #tpu.memory_space<vmem>>, vector<1x16xi32>,
        %shift_right_logical3A_622 = arith.constant 16 : i32
        %shift_right_logical3A_623 = vector.broadcast %shift_right_logical3A_622 : i32 to vector<16xi32>
        %shift_right_logical3A_624 = arith.shrui %get3A_612, %shift_right_logical3A_623 : vector<16xi32>
        %swap3A_625 = arith.constant 1 : i32
        %swap3A_626 = arith.index_cast %swap3A_625 : i32 to index
        %swap3A_627 = arith.constant 112 : index
        %swap3A_628 = tpu.vector_load %arg8[%swap3A_626, %swap3A_627] {strides = array<i32>} : memref<2x128xi32, #tpu.memory_space<vmem>>, vector<1x16xi32>,
        %swap3A_629 = vector.shape_cast %swap3A_628 : vector<1x16xi32> to vector<16xi32>
        %swap3A_630 = vector.shape_cast %shift_right_logical3A_624 : vector<16xi32> to vector<1x16xi32>
        tpu.vector_store %arg8[%swap3A_626, %swap3A_627], %swap3A_630 {strides = array<i32>} : memref<2x128xi32, #tpu.memory_space<vmem>>, vector<1x16xi32>,
        %dma_start3A_631 = arith.constant 1 : i32
        %dma_start3A_632 = arith.constant 1 : i32
        %dma_start3A_633 = arith.constant 1 : i32
        %dma_start3A_634 = arith.constant 0 : i32
        %dma_start3A_635 = arith.constant 0 : i32
        %dma_start3A_636 = tpu.memref_slice %arg9[%dma_start3A_632, %dma_start3A_634, %dma_start3A_635] : memref<2x128x128xf32, #tpu.memory_space<vmem>> -> memref<1x128x128xf32, #tpu.memory_space<vmem>>
        %dma_start3A_637 = tpu.memref_squeeze %dma_start3A_636 : memref<1x128x128xf32, #tpu.memory_space<vmem>> -> memref<128x128xf32, #tpu.memory_space<vmem>>
        %dma_start3A_638 = arith.constant 0 : i32
        %dma_start3A_639 = tpu.memref_slice %arg7[%dma_start3A_631, %dma_start3A_638] : memref<2x128xi32, #tpu.memory_space<vmem>> -> memref<1x128xi32, #tpu.memory_space<vmem>>
        %dma_start3A_640 = tpu.memref_squeeze %dma_start3A_639 : memref<1x128xi32, #tpu.memory_space<vmem>> -> memref<128xi32, #tpu.memory_space<vmem>>
        %dma_start3A_641 = arith.constant 0 : i32
        %dma_start3A_642 = arith.constant 0 : i32
        %dma_start3A_643 = tpu.memref_slice %arg2[%dma_start3A_641, %dma_start3A_642] : memref<10000x128xf32, #tpu.memory_space<hbm>> -> memref<10000x128xf32, #tpu.memory_space<hbm>>
        %dma_start3A_644 = tpu.memref_slice %arg11[%dma_start3A_633] : memref<2x!tpu.dma_semaphore, #tpu.memory_space<semaphore_mem>> -> memref<1x!tpu.dma_semaphore, #tpu.memory_space<semaphore_mem>>
        %dma_start3A_645 = tpu.memref_squeeze %dma_start3A_644 : memref<1x!tpu.dma_semaphore, #tpu.memory_space<semaphore_mem>> -> memref<!tpu.dma_semaphore, #tpu.memory_space<semaphore_mem>>
        tpu.enqueue_indirect_dma source(%dma_start3A_643 : memref<10000x128xf32, #tpu.memory_space<hbm>>) target(%dma_start3A_637 : memref<128x128xf32, #tpu.memory_space<vmem>>) offsets(%dma_start3A_640 : memref<128xi32, #tpu.memory_space<vmem>>) semaphore(%dma_start3A_645 : memref<!tpu.dma_semaphore, #tpu.memory_space<semaphore_mem>>)
      } else {
      }
    }
    %scan3A_400 = arith.constant 40 : i32
    %barrier3A_401 = arith.constant 0 : index
    tpu.barrier barrier_id(%barrier3A_401)
    %mul3A_402 = arith.constant 632 : i32
    %mul3A_403 = arith.muli %arg1, %mul3A_402 : i32
    %mul3A_404 = arith.constant 632 : i32
    %mul3A_405 = arith.muli %arg1, %mul3A_404 : i32
    "tpu.region"() ({
      %run_scoped3A = tpu.sem_alloc : memref<!tpu.dma_semaphore, #tpu.memory_space<semaphore_mem>>
      %dma_start3A_406 = arith.constant 0 : i32
      %dma_start3A_407 = tpu.memref_slice %arg5[%arg0, %mul3A_405, %dma_start3A_406] : memref<2x10112x128xf32, #tpu.memory_space<hbm>> -> memref<1x632x128xf32, #tpu.memory_space<hbm>>
      %dma_start3A_408 = tpu.memref_squeeze %dma_start3A_407 : memref<1x632x128xf32, #tpu.memory_space<hbm>> -> memref<632x128xf32, #tpu.memory_space<hbm>>
      %dma_start3A_409 = arith.constant 0 : i32
      %dma_start3A_410 = tpu.memref_slice %arg10[%mul3A_403, %dma_start3A_409] : memref<10112x128xf32, #tpu.memory_space<vmem_shared>> -> memref<632x128xf32, #tpu.memory_space<vmem_shared>>
      tpu.enqueue_dma source(%dma_start3A_410 : memref<632x128xf32, #tpu.memory_space<vmem_shared>>) target(%dma_start3A_408 : memref<632x128xf32, #tpu.memory_space<hbm>>) target_semaphore(%run_scoped3A : memref<!tpu.dma_semaphore, #tpu.memory_space<semaphore_mem>>)
      %dma_wait3A = arith.constant 0 : i32
      %dma_wait3A_411 = tpu.memref_slice %arg5[%arg0, %mul3A_405, %dma_wait3A] : memref<2x10112x128xf32, #tpu.memory_space<hbm>> -> memref<1x632x128xf32, #tpu.memory_space<hbm>>
      %dma_wait3A_412 = tpu.memref_squeeze %dma_wait3A_411 : memref<1x632x128xf32, #tpu.memory_space<hbm>> -> memref<632x128xf32, #tpu.memory_space<hbm>>
      %dma_wait3A_413 = arith.constant 0 : i32
      %dma_wait3A_414 = tpu.memref_slice %arg10[%mul3A_403, %dma_wait3A_413] : memref<10112x128xf32, #tpu.memory_space<vmem_shared>> -> memref<632x128xf32, #tpu.memory_space<vmem_shared>>
      tpu.wait_dma2 semaphore(%run_scoped3A : memref<!tpu.dma_semaphore, #tpu.memory_space<semaphore_mem>>) src(%dma_wait3A_414 : memref<632x128xf32, #tpu.memory_space<vmem_shared>>) dst(%dma_wait3A_412 : memref<632x128xf32, #tpu.memory_space<hbm>>)
      tpu.yield
    }) : () -> ()
    return
  }
}

module attributes {stable_mosaic.version = 14 : i64} {
  func.func @_xwb_body(%arg0: i32, %arg1: memref<1000x128xf32, #tpu.memory_space<vmem>>, %arg2: memref<1000x1xf32, #tpu.memory_space<vmem>>, %arg3: memref<128x128xf32, #tpu.memory_space<vmem>>, %arg4: memref<1x128xf32, #tpu.memory_space<vmem>>, %arg5: memref<1000x128xf32, #tpu.memory_space<vmem>>) attributes {dimension_semantics = [#tpu.dimension_semantics<arbitrary>], iteration_bounds = array<i64: 10>, scalar_prefetch = 0 : i64, scratch_operands = 0 : i64, tpu.core_type = #tpu.core_type<tc>, window_params = [{transform_indices = @transform_0, window_bounds = array<i64: 1000, 128>}, {transform_indices = @transform_1, window_bounds = array<i64: 1000, 1>}, {pipeline_mode = #tpu.pipeline_mode<synchronous>, transform_indices = @transform_2, window_bounds = array<i64: 128, 128>}, {pipeline_mode = #tpu.pipeline_mode<synchronous>, transform_indices = @transform_3, window_bounds = array<i64: 1, 128>}, {transform_indices = @transform_4, window_bounds = array<i64: 1000, 128>}]} {
    %get3A = arith.constant 0 : index
    %get3A_0 = arith.constant 0 : index
    %get3A_1 = vector.load %arg1[%get3A, %get3A_0] : memref<1000x128xf32, #tpu.memory_space<vmem>>, vector<1000x128xf32>
    %get3A_2 = arith.constant 0 : index
    %get3A_3 = arith.constant 0 : index
    %get3A_4 = vector.load %arg3[%get3A_2, %get3A_3] : memref<128x128xf32, #tpu.memory_space<vmem>>, vector<128x128xf32>
    %dot_general3A = arith.constant dense<0.000000e+00> : vector<1000x128xf32>
    %dot_general3A_5 = tpu.matmul %get3A_1, %get3A_4, %dot_general3A {dimension_numbers = #tpu.dot_dimension_numbers<[1], [0], [0], [1], [0, 0, 1, 1], [], []>, transpose_lhs_hint = false} : vector<1000x128xf32>, vector<128x128xf32>, vector<1000x128xf32> -> vector<1000x128xf32>
    %get3A_6 = arith.constant 0 : index
    %get3A_7 = arith.constant 0 : index
    %get3A_8 = vector.load %arg4[%get3A_6, %get3A_7] : memref<1x128xf32, #tpu.memory_space<vmem>>, vector<1x128xf32>
    %add3A = vector.broadcast %get3A_8 : vector<1x128xf32> to vector<1000x128xf32>
    %add3A_9 = arith.addf %dot_general3A_5, %add3A : vector<1000x128xf32>
    %get3A_10 = arith.constant 0 : index
    %get3A_11 = arith.constant 0 : index
    %get3A_12 = vector.load %arg2[%get3A_10, %get3A_11] : memref<1000x1xf32, #tpu.memory_space<vmem>>, vector<1000x1xf32>
    %mul3A = vector.broadcast %get3A_12 : vector<1000x1xf32> to vector<1000x128xf32>
    %mul3A_13 = arith.mulf %add3A_9, %mul3A : vector<1000x128xf32>
    %swap3A = arith.constant 0 : index
    %swap3A_14 = arith.constant 0 : index
    %swap3A_15 = vector.load %arg5[%swap3A, %swap3A_14] : memref<1000x128xf32, #tpu.memory_space<vmem>>, vector<1000x128xf32>
    tpu.vector_store %arg5[%swap3A, %swap3A_14], %mul3A_13 {strides = array<i32>} : memref<1000x128xf32, #tpu.memory_space<vmem>>, vector<1000x128xf32>,
    return
  }
  func.func @transform_0(%arg0: i32) -> (i32, i32) {
    %c0_i32 = arith.constant 0 : i32
    %c0_i32_0 = arith.constant 0 : i32
    return %arg0, %c0_i32 : i32, i32
  }
  func.func @transform_1(%arg0: i32) -> (i32, i32) {
    %c0_i32 = arith.constant 0 : i32
    %c0_i32_0 = arith.constant 0 : i32
    return %arg0, %c0_i32 : i32, i32
  }
  func.func @transform_2(%arg0: i32) -> (i32, i32) {
    %c0_i32 = arith.constant 0 : i32
    %c0_i32_0 = arith.constant 0 : i32
    %c0_i32_1 = arith.constant 0 : i32
    return %c0_i32, %c0_i32_0 : i32, i32
  }
  func.func @transform_3(%arg0: i32) -> (i32, i32) {
    %c0_i32 = arith.constant 0 : i32
    %c0_i32_0 = arith.constant 0 : i32
    %c0_i32_1 = arith.constant 0 : i32
    return %c0_i32, %c0_i32_0 : i32, i32
  }
  func.func @transform_4(%arg0: i32) -> (i32, i32) {
    %c0_i32 = arith.constant 0 : i32
    %c0_i32_0 = arith.constant 0 : i32
    return %arg0, %c0_i32 : i32, i32
  }
}

module attributes {stable_mosaic.version = 14 : i64} {
  func.func @_dense_body(%arg0: i32, %arg1: memref<1000x128xf32, #tpu.memory_space<vmem>>, %arg2: memref<1000x128xf32, #tpu.memory_space<vmem>>, %arg3: memref<1000x128xf32, #tpu.memory_space<vmem>>, %arg4: memref<128x128xf32, #tpu.memory_space<vmem>>, %arg5: memref<1000x128xf32, #tpu.memory_space<vmem>>) attributes {dimension_semantics = [#tpu.dimension_semantics<arbitrary>], iteration_bounds = array<i64: 10>, scalar_prefetch = 0 : i64, scratch_operands = 0 : i64, tpu.core_type = #tpu.core_type<tc>, window_params = [{transform_indices = @transform_0, window_bounds = array<i64: 1000, 128>}, {transform_indices = @transform_1, window_bounds = array<i64: 1000, 128>}, {transform_indices = @transform_2, window_bounds = array<i64: 1000, 128>}, {pipeline_mode = #tpu.pipeline_mode<synchronous>, transform_indices = @transform_3, window_bounds = array<i64: 128, 128>}, {transform_indices = @transform_4, window_bounds = array<i64: 1000, 128>}]} {
    %get3A = arith.constant 0 : index
    %get3A_0 = arith.constant 0 : index
    %get3A_1 = vector.load %arg2[%get3A, %get3A_0] : memref<1000x128xf32, #tpu.memory_space<vmem>>, vector<1000x128xf32>
    %get3A_2 = arith.constant 0 : index
    %get3A_3 = arith.constant 0 : index
    %get3A_4 = vector.load %arg3[%get3A_2, %get3A_3] : memref<1000x128xf32, #tpu.memory_space<vmem>>, vector<1000x128xf32>
    %add3A = arith.addf %get3A_1, %get3A_4 : vector<1000x128xf32>
    %get3A_5 = arith.constant 0 : index
    %get3A_6 = arith.constant 0 : index
    %get3A_7 = vector.load %arg4[%get3A_5, %get3A_6] : memref<128x128xf32, #tpu.memory_space<vmem>>, vector<128x128xf32>
    %dot_general3A = arith.constant dense<0.000000e+00> : vector<1000x128xf32>
    %dot_general3A_8 = tpu.matmul %add3A, %get3A_7, %dot_general3A {dimension_numbers = #tpu.dot_dimension_numbers<[1], [0], [0], [1], [0, 0, 1, 1], [], []>, transpose_lhs_hint = false} : vector<1000x128xf32>, vector<128x128xf32>, vector<1000x128xf32> -> vector<1000x128xf32>
    %get3A_9 = arith.constant 0 : index
    %get3A_10 = arith.constant 0 : index
    %get3A_11 = vector.load %arg1[%get3A_9, %get3A_10] : memref<1000x128xf32, #tpu.memory_space<vmem>>, vector<1000x128xf32>
    %add3A_12 = arith.addf %get3A_11, %dot_general3A_8 : vector<1000x128xf32>
    %tanh3A = math.tanh %add3A_12 : vector<1000x128xf32>
    %swap3A = arith.constant 0 : index
    %swap3A_13 = arith.constant 0 : index
    %swap3A_14 = vector.load %arg5[%swap3A, %swap3A_13] : memref<1000x128xf32, #tpu.memory_space<vmem>>, vector<1000x128xf32>
    tpu.vector_store %arg5[%swap3A, %swap3A_13], %tanh3A {strides = array<i32>} : memref<1000x128xf32, #tpu.memory_space<vmem>>, vector<1000x128xf32>,
    return
  }
  func.func @transform_0(%arg0: i32) -> (i32, i32) {
    %c0_i32 = arith.constant 0 : i32
    %c0_i32_0 = arith.constant 0 : i32
    return %arg0, %c0_i32 : i32, i32
  }
  func.func @transform_1(%arg0: i32) -> (i32, i32) {
    %c0_i32 = arith.constant 0 : i32
    %c0_i32_0 = arith.constant 0 : i32
    return %arg0, %c0_i32 : i32, i32
  }
  func.func @transform_2(%arg0: i32) -> (i32, i32) {
    %c0_i32 = arith.constant 0 : i32
    %c0_i32_0 = arith.constant 0 : i32
    return %arg0, %c0_i32 : i32, i32
  }
  func.func @transform_3(%arg0: i32) -> (i32, i32) {
    %c0_i32 = arith.constant 0 : i32
    %c0_i32_0 = arith.constant 0 : i32
    %c0_i32_1 = arith.constant 0 : i32
    return %c0_i32, %c0_i32_0 : i32, i32
  }
  func.func @transform_4(%arg0: i32) -> (i32, i32) {
    %c0_i32 = arith.constant 0 : i32
    %c0_i32_0 = arith.constant 0 : i32
    return %arg0, %c0_i32 : i32, i32
  }
}

</mosaic_0001>

<sc_bundles>
// kernel: kernel.5.cloned.1.call-start
scs
__scs_entry_jumppad:
0x0: {  	(pc) =	sbr.rel $0x88, $3  }
0x1: {  	(tag) =	ssettag $0x0;
	lr =	simm.s32 $0x1  }
0x2: {  	[smem:$0x3F9A] =	sst lr;
	_ =	strace $0xD0000000  }
0x3: {  	_ = 	snop  }
0x4: {  	_ = 	snop  }
0x5: {  	_ = 	snop  }
0x6: {  	_ = 	snop  }
0x7: {  	_ = 	snop  }
__scs_overlays_trampoline_lowered:
0x8: {  	[smem:$0x3FA9] =	sst s0  }
0x9: {  	[smem:$0x3FAA] =	sst s1  }
0xa: {  	[smem:$0x3FAB] =	sst s2  }
0xb: {  	[smem:$0x3FAC] =	sst s3  }
0xc: {  	[smem:$0x3FAD] =	sst s4  }
0xd: {  	[smem:$0x3FAE] =	sst s5  }
0xe: {  	[smem:$0x3FAF] =	sst s6  }
0xf: {  	[smem:$0x3FB0] =	sst s7  }
0x10: {  	[smem:$0x3FB1] =	sst s8  }
0x11: {  	[smem:$0x3FB2] =	sst s9;
	s0 =	simm.s32 @!p0 $0x0  }
0x12: {  	s1 =	sld [smem:$0x3F98];
	s0 =	simm.s32 @p0 $0x1  }
0x13: {  	[smem:$0x3FB3] =	sst s0;
	s0 =	simm.s32 @!p1 $0x0  }
0x14: {  	s2 =	sld [smem:$0x3F97];
	s0 =	simm.s32 @p1 $0x1  }
0x15: {  	[smem:$0x3FB4] =	sst s0;
	s0 =	simm.s32 @!p2 $0x0  }
0x16: {  	s3 =	sld [smem:$0x3FDB];
	s0 =	simm.s32 @p2 $0x1  }
0x17: {  	s4 =	simm.s32 $0x1BF5;
	[smem:$0x3FB6] =	sst s0  }
0x18: {  	s0 =	sld [smem:$0x3F99];
	_ =	swait.ge [sflag:s4], $0x0  }
0x19: {  	s7 =	sld [smem:$0x3F9A]  }
0x1a: {  	s8 =	sadd.s32 $0xFFFFE003, lr  }
0x1b: {  	s9 =	sadd.s32 $0xFFFFFEF7, lr;
	s5 =	simm.s32 $0xFFFFFFFF;
	p2 =	slt.u32 s8, $0xFFFFF086  }
0x1c: {  	p1 =	slt.u32 s9, $0xF7A;
	s5 =	simm.s32 @!p2 $0x0  }
0x1d: {  	s5 =	simm.s32 @p1 $0x1;
	p0 =	seq.s32 s7, s2  }
0x1e: {  	s7 =	smul.u32 @!p0 $0xF7A, s2;
	p2 =	seq.s32 @!p0 s5, $0x0  }
0x1f: {  	s9 =	smul.u32 $0xF7A, s1;
	s8 =	simm.s32 @!p0 $0x1BF5;
	p2 =	por !p2, p0  }
0x20: {  	[sflag:s8] =	ssyncset.s32 @!p0 $0xFFFFF086;
	s6 =	sadd.s32 @!p0 s3, s7;
	s7 =	simm.s32 @!p0 $0x108  }
0x21: {  	s3 =	sadd.s32 s3, s9;
	s6 =	sadd.s32 @!p0 $0x88, s6;
	s7 =	simm.s32 @p2 $0x1082  }
0x22: {  	[simem:s7], [sflag:s8] =	dma.local @!p0 [hbm:s6], $0xF7A  }
0x23: {  	s9 =	sor.u32 $0xD0000000, s2;
	s6 =	simm.s32 $0x108;
	_ =	swait.ge @!p0 [sflag:s8], $0x0  }
0x24: {  	s3 =	sadd.s32 $0x88, s3;
	s6 =	simm.s32 @!p1 $0x1082;
	[sflag:s4] =	ssyncset.s32 $0xFFFFF086  }
0x25: {  	[simem:s6], [sflag:s4] =	dma.local [hbm:s3], $0xF7A  }
0x26: {  	[smem:$0x3F9A] =	sst s1;
	(tag) =	ssettag s2;
	_ =	strace s9  }
0x27: {  	s1 =	sld [smem:$0x3FAA]  }
0x28: {  	s2 =	sld [smem:$0x3FAB]  }
0x29: {  	s4 =	sld [smem:$0x3FAD]  }
0x2a: {  	p0 =	seq.s32 s5, $0x0;
	s5 =	sld [smem:$0x3FAE]  }
0x2b: {  	s6 =	sld [smem:$0x3FAF]  }
0x2c: {  	s7 =	sld [smem:$0x3FB0]  }
0x2d: {  	s3 =	simm.s32 $0x108;
	s8 =	sld [smem:$0x3FB1]  }
0x2e: {  	s3 =	simm.s32 @!p0 $0x1082;
	s9 =	sld [smem:$0x3FB2]  }
0x2f: {  	lr =	sadd.s32 s0, s3;
	s0 =	sld [smem:$0x3FA9]  }
0x30: {  	s3 =	sld [smem:$0x3FAC]  }
0x31: {  	[smem:$0x3FB5] =	sst s10  }
0x32: {  	s10 =	sld [smem:$0x3FB3];
	_ =	sdelay $0x3  }
0x33: {  	p0 =	seq.s32 s10, $0x1;
	s10 =	sld [smem:$0x3FB5];
	_ =	sdelay $0x3  }
0x34: {  	[smem:$0x3FB5] =	sst s10  }
0x35: {  	s10 =	sld [smem:$0x3FB4];
	_ =	sdelay $0x3  }
0x36: {  	p1 =	seq.s32 s10, $0x1;
	s10 =	sld [smem:$0x3FB5];
	_ =	sdelay $0x3  }
0x37: {  	[smem:$0x3FB5] =	sst s10  }
0x38: {  	s10 =	sld [smem:$0x3FB6]  }
0x39: {  	_ = 	snop;
	(pc) =	sbr.ind lr, $3  }
0x3a: {  	_ = 	snop  }
0x3b: {  	_ = 	snop  }
0x3c: {  	p2 =	seq.s32 s10, $0x1;
	s10 =	sld [smem:$0x3FB5]  }
0x3d: {  	_ =	shalt  }
0x3e: {  	_ =	shalt  }
0x3f: {  	_ =	shalt  }
0x40: {  	_ =	shalt  }
0x41: {  	_ =	shalt  }
0x42: {  	_ =	shalt  }
0x43: {  	_ =	shalt  }
0x44: {  	_ =	shalt  }
0x45: {  	_ =	shalt  }
0x46: {  	_ =	shalt  }
0x47: {  	_ =	shalt  }
0x48: {  	_ =	shalt  }
0x49: {  	_ =	shalt  }
0x4a: {  	_ =	shalt  }
0x4b: {  	_ =	shalt  }
0x4c: {  	_ =	shalt  }
0x4d: {  	_ =	shalt  }
0x4e: {  	_ =	shalt  }
0x4f: {  	_ =	shalt  }
0x50: {  	_ =	shalt  }
0x51: {  	_ =	shalt  }
0x52: {  	_ =	shalt  }
0x53: {  	_ =	shalt  }
0x54: {  	_ =	shalt  }
0x55: {  	_ =	shalt  }
0x56: {  	_ =	shalt  }
0x57: {  	_ =	shalt  }
0x58: {  	_ =	shalt  }
0x59: {  	_ =	shalt  }
0x5a: {  	_ =	shalt  }
0x5b: {  	_ =	shalt  }
0x5c: {  	_ =	shalt  }
0x5d: {  	_ =	shalt  }
0x5e: {  	_ =	shalt  }
0x5f: {  	_ =	shalt  }
0x60: {  	_ =	shalt  }
0x61: {  	_ =	shalt  }
0x62: {  	_ =	shalt  }
0x63: {  	_ =	shalt  }
0x64: {  	_ =	shalt  }
0x65: {  	_ =	shalt  }
0x66: {  	_ =	shalt  }
0x67: {  	_ =	shalt  }
0x68: {  	_ =	shalt  }
0x69: {  	_ =	shalt  }
0x6a: {  	_ =	shalt  }
0x6b: {  	_ =	shalt  }
0x6c: {  	_ =	shalt  }
0x6d: {  	_ =	shalt  }
0x6e: {  	_ =	shalt  }
0x6f: {  	_ =	shalt  }
0x70: {  	_ =	shalt  }
0x71: {  	_ =	shalt  }
0x72: {  	_ =	shalt  }
0x73: {  	_ =	shalt  }
0x74: {  	_ =	shalt  }
0x75: {  	_ =	shalt  }
0x76: {  	_ =	shalt  }
0x77: {  	_ =	shalt  }
0x78: {  	_ =	shalt  }
0x79: {  	_ =	shalt  }
0x7a: {  	_ =	shalt  }
0x7b: {  	_ =	shalt  }
0x7c: {  	_ =	shalt  }
0x7d: {  	_ =	shalt  }
0x7e: {  	_ =	shalt  }
0x7f: {  	_ =	shalt  }
0x80: {  	_ =	shalt  }
0x81: {  	_ =	shalt  }
0x82: {  	_ =	shalt  }
0x83: {  	_ =	shalt  }
0x84: {  	_ =	shalt  }
0x85: {  	_ =	shalt  }
0x86: {  	_ =	shalt  }
0x87: {  	_ =	shalt  }
.Lfunc_end0:
.L_simem_size_0:
called_computation_lowered:
.L_overlay_start_0:
0x88: {  	s2 =	sld [smem:$0x3FD9]  }
0x89: {  	s3 =	sld [smem:$0x3FFE];
	_ =	sdelay $0x1  }
0x8a: {  	s1 =	srdreg.scid  }
0x8b: {  	s0 =	sand.u32 $0x1, s1  }
0x8c: {  	s17 =	sshll.u32 s0, $0xA;
	s2 =	sadd.s32 s3, s2  }
0x8d: {  	s2 =	sadd.s32 s2, s17  }
0x8e: {  	[smem:$0x3FC1] =	sst s2  }
0x8f: {  	_ = 	snop  }
0x90: {  	s2 =	sld [smem:$0x3FC7]  }
0x91: {  	s18 =	sld [smem:$0x3FD0];
	(tm) =	ssettm $0x1  }
0x92: {  	s4 =	sld [smem:$0x3FFB];
	_ =	sdelay $0x3  }
0x93: {  	_ =	strace s4  }
0x94: {  	s4 =	sld [smem:$0x3FFC];
	_ =	sdelay $0x3  }
0x95: {  	_ =	strace s4  }
0x96: {  	s4 =	sld [smem:$0x3FFD];
	_ =	sdelay $0x3  }
0x97: {  	_ =	strace s4  }
0x98: {  	_ =	strace $0x8FFFFFFF  }
0x99: {  	s19 =	sld [smem:$0x3FDB];
	_ =	sdelay $0x1  }
0x9a: {  	s5 =	simm.s32 $_scs_section_size  }
0x9b: {  	s6 =	simm.s32 $_size__tile_overlayer_lowered;
	s7 =	simm.s32 $_tile_overlayer_lowered  }
0x9c: {  	s22 =	simm.s32 $0x1BFF;
	s21 =	sshll.u32 s7, $0x1;
	s4 =	sadd.s32 s5, s19  }
0x9d: {  	s8 =	simm.s32 $0x0;
	s20 =	sshll.u32 s6, $0x1;
	s6 =	sadd.s32 s21, s4  }
0x9e: {  	[timem:s8], [sflag:s22] =	dma.local [hbm:s6], s20  }
0x9f: {  	_ =	swait.ge [sflag:s22], s20  }
0xa0: {  	s5 =	ssub.s32 $0x0, s20;
	[sflag:s22] =	ssyncset.done $0x0  }
0xa1: {  	[sflag:s22] =	ssyncadd.s32 s5;
	_ =	sdelay $0x1  }
0xa2: {  	s23 =	simm.s32 $0x1B8B  }
0xa3: {  	_ =	swait.ge [sflag:s23], $0x1  }
0xa4: {  	[sflag:s23] =	ssyncset.done $0x0  }
0xa5: {  	s25 =	simm.s32 $0x1B8E;
	s24 =	sld [smem:$0x3FFE];
	[sflag:s23] =	ssyncadd.s32 $0xFFFFFFFF  }
0xa6: {  	s26 =	simm.s32 $execute0_lowered;
	[smem:$0x3FD2] =	sst s25  }
0xa7: {  	s6 =	sshll.u32 s26, $0x1;
	_ =	strace $0x80000046;
	[dreg:$0x1] =	wrdreg $0xFFFFFFFF  }
0xa8: {  	s28 =	simm.s32 $_size_execute0_lowered;
	s4 =	sadd.s32 s4, s6;
	[dreg:$0x0] =	wrdreg $0x0  }
0xa9: {  	s6 =	sshll.u32 s28, $0x1;
	[dreg:$0x2] =	wrdreg s4  }
0xaa: {  	[dreg:$0x3] =	wrdreg s6  }
0xab: {  	[dreg:$0x4] =	wrdreg $0xC0  }
0xac: {  	_ =	task [dreg:s8], $0x5FFFF  }
0xad: {  	[dreg:$0x1] =	wrdreg $0xFFFFFFFF  }
0xae: {  	[dreg:$0x0] =	wrdreg $0x60  }
0xaf: {  	[dreg:$0x2] =	wrdreg s2  }
0xb0: {  	[dreg:$0x3] =	wrdreg s18  }
0xb1: {  	[dreg:$0x4] =	wrdreg s24  }
0xb2: {  	[dreg:$0x5] =	wrdreg $0xAA000  }
0xb3: {  	[dreg:$0x6] =	wrdreg $0x9  }
0xb4: {  	_ =	task.clear_ibuf [dreg:s8], $0x7FFFF;
	_ =	strace $0x90000046  }
0xb5: {  	s29 =	simm.s32 $0x9;
	_ =	strace $0x80000048  }
0xb6: {  	_ =	swait.ge [sflag:s29], $0x1  }
0xb7: {  	[sflag:s29] =	ssyncadd.s32 $0xFFFFFFFF  }
0xb8: {  	_ =	strace $0x90000048  }
0xb9: {  	_ =	sfence  }
0xba: {  	s30 =	sld [smem:$0x0];
	_ =	sdelay $0x2  }
0xbb: {  	s31 =	sshll.u32 s1, $0xD;
	s1 =	sshrl.u32 s1, $0x2  }
0xbc: {  	s3 =	sand.u32 $0x4000, s31;
	s1 =	sadd.s32 s1, s30  }
0xbd: {  	s0 =	sor.u32 s3, s0;
	s1 =	sshll.u32 s1, $0x11  }
0xbe: {  	s0 =	sor.u32 s1, s0  }
0xbf: {  	s0 =	sadd.s32 $0x8F2B, s0  }
0xc0: {  	[sflag:s0] =	ssyncadd.remote.s32 $0x1  }
0xc1: {  	_ =	sfence.sel $0xFFFF  }
0xc2: {  	[dreg:$0x0] =	wrdreg $0xFFFFFFFF;
	(pc) =	sbr.abs _section_cstart, $3  }
0xc3: {  	[dreg:$0x1] =	wrdreg $0xFFFFFFFF  }
0xc4: {  	_ =	task.clear_ibuf [dreg:s8], $0x2FFFF;
	_ =	strace $0x9FFFFFFF  }
0xc5: {  	(tm) =	ssettm $0x7FFFFFFF  }
tec
execute0_lowered:
.L_overlay_start_1:
0x0: {  	(tag) =	ssettag $0x1  }
0x1: {  	s1 =	rddreg [dreg:$0x0]  }
0x2: {  	s7 =	rddreg [dreg:$0x1]  }
0x3: {  	s5 =	rddreg [dreg:$0x2]  }
0x4: {  	s3 =	rddreg [dreg:$0x3];
	s0 =	stileid.u32  }
0x5: {  	s8 =	srdreg.scid;
	s2 =	rddreg [dreg:$0x4]  }
0x6: {  	s4 =	simm.s32 $0x0;
	s15 =	simm.s32 $0x2880;
	s16 =	simm.s32 $0x6A00  }
0x7: {  	s17 =	simm.s32 $0x1;
	s18 =	simm.s32 $0x2900;
	s6 =	smul.u32 $0x13C00, s0  }
0x8: {  	s19 =	simm.s32 $0x2;
	s20 =	simm.s32 $0x2980;
	s11 =	smul.u32 $0x4F000, s0  }
0x9: {  	s21 =	simm.s32 $0x0;
	s8 =	sand.u32 $0x1, s8;
	s13 =	smul.u32 $0x2800, s0  }
0xa: {  	[smem:$0x7FF] =	sst s4;
	s31 =	sshll.u32 s0, $0x6;
	s10 =	smul.u32 $0x13C000, s8  }
0xb: {  	_ =	strace $0x80000047;
	s29 =	ssub.s32 $0x2, s8;
	s8 =	smul.u32 $0x28000, s8  }
0xc: {  	s9 =	sshrl.u32 s6, $0x3;
	s12 =	sshrl.u32 s29, $0x1;
	s30 =	sshrl.u32 s11, $0x2  }
0xd: {  	s9 =	sadd.s32 s9, s5;
	s6 =	sadd.s32 s6, s10;
	s10 =	ssub.s32 s29, s12  }
0xe: {  	s11 =	sadd.s32 s30, s3;
	s8 =	sadd.s32 s13, s8;
	s12 =	simm.s32 $0x80  }
0xf: {  	s13 =	simm.s32 $0x2800;
	s6 =	sshrl.u32 s6, $0x3;
	s8 =	sshrl.u32 s8, $0x3  }
0x10: {  	s14 =	sadd.s32 s6, s5;
	s5 =	sadd.s32 $0xE00, s9;
	s6 =	sor.u32 $0x1C03, s31  }
0x11: {  	s7 =	sadd.s32 s7, s8;
	s9 =	smax.u32 s10, $0x1;
	s10 =	sshrl.u32 s11, $0x3  }
0x12: {  	s11 =	simm.s32 $0x3;
	s8 =	sadd.s32 $0x28600, s14;
	s14 =	simm.s32 $0x2A00  }
.LBB2_1:
0x13: {  	[spmem:s10], [sflag:s6] =	dma.local [hbm:s5], $0x2780  }
0x14: {  	_ =	swait.ge [sflag:s11], $0x2780  }
0x15: {  	[sflag:s11] =	ssyncset.done $0x0  }
0x16: {  	[sflag:s11] =	ssyncadd.s32 $0xFFFFD880  }
0x17: {  	[tilespmem:s4], [sflag:$0x3] =	stream.linear.gather [hbm4b:s7+s4], $0x2800, $0x38;
	[tilespmem:$0x1E600] =	vst v63  }
0x18: {  	_ =	swait.ge [sflag:s11], $0x2800  }
0x19: {  	[sflag:s11] =	ssyncset.done $0x0  }
0x1a: {  	[sflag:s11] =	ssyncadd.s32 $0xFFFFD800  }
0x1b: {  	[bflag:$0x0] =	sbarrier.arrive $0xFFFF  }
0x1c: {  	v0 =	vld [tilespmem:$0x0];
	_ =	sdelay $0x1  }
0x1d: {  	v1 =	vld [tilespmem:$0x10];
	_ =	sdelay $0x1  }
0x1e: {  	v2 =	vld [tilespmem:$0x20]  }
0x1f: {  	v3 =	vand.u32 $0xFFFF, v0  }
0x20: {  	v0 =	vshrl.u32 v0, $0x10;
	[tilespmem:$0x2800] =	vst v3;
	v3 =	vld [tilespmem:$0x30]  }
0x21: {  	[tilespmem:$0x2900] =	vst v0;
	v0 =	vand.u32 $0xFFFF, v1  }
0x22: {  	[tilespmem:$0x2810] =	vst v0;
	v0 =	vshrl.u32 v1, $0x10;
	v1 =	vld [tilespmem:$0x40]  }
0x23: {  	[tilespmem:$0x2910] =	vst v0;
	v0 =	vand.u32 $0xFFFF, v2  }
0x24: {  	[tilespmem:$0x2820] =	vst v0;
	v0 =	vshrl.u32 v2, $0x10;
	v2 =	vld [tilespmem:$0x50]  }
0x25: {  	[tilespmem:$0x2920] =	vst v0;
	v0 =	vand.u32 $0xFFFF, v3  }
0x26: {  	[tilespmem:$0x2830] =	vst v0;
	v0 =	vshrl.u32 v3, $0x10;
	v3 =	vld [tilespmem:$0x60]  }
0x27: {  	[tilespmem:$0x2930] =	vst v0;
	v0 =	vand.u32 $0xFFFF, v1  }
0x28: {  	[tilespmem:$0x2840] =	vst v0;
	v0 =	vshrl.u32 v1, $0x10;
	v1 =	vld [tilespmem:$0x70]  }
0x29: {  	[tilespmem:$0x2940] =	vst v0;
	v0 =	vand.u32 $0xFFFF, v2  }
0x2a: {  	[tilespmem:$0x2850] =	vst v0;
	v0 =	vshrl.u32 v2, $0x10  }
0x2b: {  	[tilespmem:$0x2950] =	vst v0;
	v0 =	vand.u32 $0xFFFF, v3  }
0x2c: {  	[tilespmem:$0x2860] =	vst v0;
	v0 =	vshrl.u32 v3, $0x10  }
0x2d: {  	[tilespmem:$0x2960] =	vst v0;
	v0 =	vand.u32 $0xFFFF, v1  }
0x2e: {  	[tilespmem:$0x2870] =	vst v0;
	v0 =	vshrl.u32 v1, $0x10  }
0x2f: {  	[tilespmem:$0x2970] =	vst v0  }
0x30: {  	[tilespmem:s14], [sflag:$0x1] =	stream.indirect.gather [hbm4b:s1+s12], $0x80, s13, s12, $0xb8;
	[tilespmem:$0x1E600] =	vst v63  }
0x31: {  	v0 =	vld [tilespmem:$0x80];
	_ =	sdelay $0x1  }
0x32: {  	v1 =	vld [tilespmem:$0x90];
	_ =	sdelay $0x1  }
0x33: {  	v2 =	vld [tilespmem:$0xA0]  }
0x34: {  	v3 =	vand.u32 $0xFFFF, v0  }
0x35: {  	v0 =	vshrl.u32 v0, $0x10;
	[tilespmem:$0x2880] =	vst v3;
	v3 =	vld [tilespmem:$0xB0]  }
0x36: {  	[tilespmem:$0x2980] =	vst v0;
	v0 =	vand.u32 $0xFFFF, v1  }
0x37: {  	[tilespmem:$0x2890] =	vst v0;
	v0 =	vshrl.u32 v1, $0x10;
	v1 =	vld [tilespmem:$0xC0]  }
0x38: {  	[tilespmem:$0x2990] =	vst v0;
	v0 =	vand.u32 $0xFFFF, v2  }
0x39: {  	[tilespmem:$0x28A0] =	vst v0;
	v0 =	vshrl.u32 v2, $0x10;
	v2 =	vld [tilespmem:$0xD0]  }
0x3a: {  	[tilespmem:$0x29A0] =	vst v0;
	v0 =	vand.u32 $0xFFFF, v3  }
0x3b: {  	[tilespmem:$0x28B0] =	vst v0;
	v0 =	vshrl.u32 v3, $0x10;
	v3 =	vld [tilespmem:$0xE0]  }
0x3c: {  	[tilespmem:$0x29B0] =	vst v0;
	v0 =	vand.u32 $0xFFFF, v1  }
0x3d: {  	[tilespmem:$0x28C0] =	vst v0;
	v0 =	vshrl.u32 v1, $0x10;
	v1 =	vld [tilespmem:$0xF0]  }
0x3e: {  	[tilespmem:$0x29C0] =	vst v0;
	v0 =	vand.u32 $0xFFFF, v2  }
0x3f: {  	[tilespmem:$0x28D0] =	vst v0;
	v0 =	vshrl.u32 v2, $0x10  }
0x40: {  	[tilespmem:$0x29D0] =	vst v0;
	v0 =	vand.u32 $0xFFFF, v3  }
0x41: {  	[tilespmem:$0x28E0] =	vst v0;
	v0 =	vshrl.u32 v3, $0x10  }
0x42: {  	[tilespmem:$0x29E0] =	vst v0;
	v0 =	vand.u32 $0xFFFF, v1  }
0x43: {  	[tilespmem:$0x28F0] =	vst v0;
	v0 =	vshrl.u32 v1, $0x10  }
0x44: {  	[tilespmem:$0x29F0] =	vst v0  }
0x45: {  	[tilespmem:s16], [sflag:$0x2] =	stream.indirect.gather [hbm4b:s1+s12], $0x80, s15, s12, $0xb8;
	[tilespmem:$0x1E600] =	vst v63  }
0x46: {  	_ =	swait.ge [sflag:s17], $0x4000  }
0x47: {  	[sflag:s17] =	ssyncset.done $0x0  }
0x48: {  	[sflag:s17] =	ssyncadd.s32 $0xFFFFC000  }
0x49: {  	[spmem:s3] =	stream.indirect.scatter.add.f32 [tilespmem:s14], [sflag:$0x3], $0x80, s18, s12, $0xb8;
	[tilespmem:$0x1E600] =	vst v63  }
0x4a: {  	_ =	swait.ge [sflag:s11], $0x4000  }
0x4b: {  	[sflag:s11] =	ssyncset.done $0x0  }
0x4c: {  	s22 =	simm.s32 $0x1F0;
	[sflag:s11] =	ssyncadd.s32 $0xFFFFC000  }
0x4d: {  	v0 =	vld [tilespmem:s22+$0xFFFFFF10];
	_ =	sdelay $0x4  }
0x4e: {  	v1 =	vand.u32 $0xFFFF, v0  }
0x4f: {  	v0 =	vshrl.u32 v0, $0x10;
	[tilespmem:$0x2800] =	vst v1  }
0x50: {  	[tilespmem:$0x2900] =	vst v0  }
0x51: {  	v0 =	vld [tilespmem:s22+$0xFFFFFF20];
	_ =	sdelay $0x4  }
0x52: {  	v1 =	vand.u32 $0xFFFF, v0  }
0x53: {  	v0 =	vshrl.u32 v0, $0x10;
	[tilespmem:$0x2810] =	vst v1  }
0x54: {  	[tilespmem:$0x2910] =	vst v0  }
0x55: {  	v0 =	vld [tilespmem:s22+$0xFFFFFF30];
	_ =	sdelay $0x4  }
0x56: {  	v1 =	vand.u32 $0xFFFF, v0  }
0x57: {  	v0 =	vshrl.u32 v0, $0x10;
	[tilespmem:$0x2820] =	vst v1  }
0x58: {  	[tilespmem:$0x2920] =	vst v0  }
0x59: {  	v0 =	vld [tilespmem:s22+$0xFFFFFF40];
	_ =	sdelay $0x4  }
0x5a: {  	v1 =	vand.u32 $0xFFFF, v0  }
0x5b: {  	v0 =	vshrl.u32 v0, $0x10;
	[tilespmem:$0x2830] =	vst v1  }
0x5c: {  	[tilespmem:$0x2930] =	vst v0  }
0x5d: {  	v0 =	vld [tilespmem:s22+$0xFFFFFF50];
	_ =	sdelay $0x4  }
0x5e: {  	v1 =	vand.u32 $0xFFFF, v0  }
0x5f: {  	v0 =	vshrl.u32 v0, $0x10;
	[tilespmem:$0x2840] =	vst v1  }
0x60: {  	[tilespmem:$0x2940] =	vst v0  }
0x61: {  	v0 =	vld [tilespmem:s22+$0xFFFFFF60];
	_ =	sdelay $0x4  }
0x62: {  	v1 =	vand.u32 $0xFFFF, v0  }
0x63: {  	v0 =	vshrl.u32 v0, $0x10;
	[tilespmem:$0x2850] =	vst v1  }
0x64: {  	[tilespmem:$0x2950] =	vst v0  }
0x65: {  	v0 =	vld [tilespmem:s22+$0xFFFFFF70];
	_ =	sdelay $0x4  }
0x66: {  	v1 =	vand.u32 $0xFFFF, v0  }
0x67: {  	v0 =	vshrl.u32 v0, $0x10;
	[tilespmem:$0x2860] =	vst v1  }
0x68: {  	[tilespmem:$0x2960] =	vst v0  }
0x69: {  	v0 =	vld [tilespmem:s22+$0xFFFFFF80];
	_ =	sdelay $0x4  }
0x6a: {  	v1 =	vand.u32 $0xFFFF, v0  }
0x6b: {  	v0 =	vshrl.u32 v0, $0x10;
	[tilespmem:$0x2870] =	vst v1  }
0x6c: {  	[tilespmem:$0x2970] =	vst v0  }
0x6d: {  	[tilespmem:s14], [sflag:$0x1] =	stream.indirect.gather [hbm4b:s1+s12], $0x80, s13, s12, $0xb8;
	[tilespmem:$0x1E600] =	vst v63  }
0x6e: {  	_ =	swait.ge [sflag:s19], $0x4000  }
0x6f: {  	[sflag:s19] =	ssyncset.done $0x0  }
0x70: {  	[sflag:s19] =	ssyncadd.s32 $0xFFFFC000  }
0x71: {  	[spmem:s3] =	stream.indirect.scatter.add.f32 [tilespmem:s16], [sflag:$0x3], $0x80, s20, s12, $0xb8;
	[tilespmem:$0x1E600] =	vst v63  }
0x72: {  	_ =	swait.ge [sflag:s11], $0x4000  }
0x73: {  	[sflag:s11] =	ssyncset.done $0x0  }
0x74: {  	[sflag:s11] =	ssyncadd.s32 $0xFFFFC000  }
0x75: {  	v0 =	vld [tilespmem:s22+$0xFFFFFF90];
	_ =	sdelay $0x4  }
0x76: {  	v1 =	vand.u32 $0xFFFF, v0  }
0x77: {  	v0 =	vshrl.u32 v0, $0x10;
	[tilespmem:$0x2880] =	vst v1  }
0x78: {  	[tilespmem:$0x2980] =	vst v0  }
0x79: {  	v0 =	vld [tilespmem:s22+$0xFFFFFFA0];
	_ =	sdelay $0x4  }
0x7a: {  	v1 =	vand.u32 $0xFFFF, v0  }
0x7b: {  	v0 =	vshrl.u32 v0, $0x10;
	[tilespmem:$0x2890] =	vst v1  }
0x7c: {  	[tilespmem:$0x2990] =	vst v0  }
0x7d: {  	v0 =	vld [tilespmem:s22+$0xFFFFFFB0];
	_ =	sdelay $0x4  }
0x7e: {  	v1 =	vand.u32 $0xFFFF, v0  }
0x7f: {  	v0 =	vshrl.u32 v0, $0x10;
	[tilespmem:$0x28A0] =	vst v1  }
0x80: {  	[tilespmem:$0x29A0] =	vst v0  }
0x81: {  	v0 =	vld [tilespmem:s22+$0xFFFFFFC0];
	_ =	sdelay $0x4  }
0x82: {  	v1 =	vand.u32 $0xFFFF, v0  }
0x83: {  	v0 =	vshrl.u32 v0, $0x10;
	[tilespmem:$0x28B0] =	vst v1  }
0x84: {  	[tilespmem:$0x29B0] =	vst v0  }
0x85: {  	v0 =	vld [tilespmem:s22+$0xFFFFFFD0];
	_ =	sdelay $0x4  }
0x86: {  	v1 =	vand.u32 $0xFFFF, v0  }
0x87: {  	v0 =	vshrl.u32 v0, $0x10;
	[tilespmem:$0x28C0] =	vst v1  }
0x88: {  	[tilespmem:$0x29C0] =	vst v0  }
0x89: {  	v0 =	vld [tilespmem:s22+$0xFFFFFFE0];
	_ =	sdelay $0x4  }
0x8a: {  	v1 =	vand.u32 $0xFFFF, v0  }
0x8b: {  	v0 =	vshrl.u32 v0, $0x10;
	[tilespmem:$0x28D0] =	vst v1  }
0x8c: {  	[tilespmem:$0x29D0] =	vst v0  }
0x8d: {  	v0 =	vld [tilespmem:s22+$0xFFFFFFF0];
	_ =	sdelay $0x4  }
0x8e: {  	v1 =	vand.u32 $0xFFFF, v0  }
0x8f: {  	s23 =	simm.s32 $0xBC0;
	v0 =	vshrl.u32 v0, $0x10;
	[tilespmem:$0x28E0] =	vst v1  }
.LBB2_2:
0x90: {  	p0 =	sne.s32 s23, $0x9FC0;
	[tilespmem:$0x29E0] =	vst v0;
	s24 =	smov.u32 s23;
	s23 =	sadd.s32 $0x400, s23  }
0x91: {  	v0 =	vld [tilespmem:s22+$0x0];
	_ =	sdelay $0x4  }
0x92: {  	v1 =	vand.u32 $0xFFFF, v0;
	v0 =	vshrl.u32 v0, $0x10  }
0x93: {  	[tilespmem:$0x28F0] =	vst v1  }
0x94: {  	[tilespmem:$0x29F0] =	vst v0  }
0x95: {  	[tilespmem:s16], [sflag:$0x2] =	stream.indirect.gather [hbm4b:s1+s12], $0x80, s15, s12, $0xb8;
	[tilespmem:$0x1E600] =	vst v63  }
0x96: {  	_ =	swait.ge [sflag:s17], $0x4000  }
0x97: {  	[sflag:s17] =	ssyncset.done $0x0  }
0x98: {  	[sflag:s17] =	ssyncadd.s32 $0xFFFFC000  }
0x99: {  	[spmem:s3] =	stream.indirect.scatter.add.f32 [tilespmem:s14], [sflag:$0x3], $0x80, s18, s12, $0xb8;
	[tilespmem:$0x1E600] =	vst v63  }
0x9a: {  	_ =	swait.ge [sflag:s11], $0x4000  }
0x9b: {  	[sflag:s11] =	ssyncset.done $0x0  }
0x9c: {  	s22 =	sshra.s32 s24, $0x2;
	[sflag:s11] =	ssyncadd.s32 $0xFFFFC000  }
0x9d: {  	v0 =	vld [tilespmem:s22+$0xFFFFFF10];
	_ =	sdelay $0x4  }
0x9e: {  	v1 =	vand.u32 $0xFFFF, v0;
	v0 =	vshrl.u32 v0, $0x10  }
0x9f: {  	[tilespmem:$0x2800] =	vst v1  }
0xa0: {  	[tilespmem:$0x2900] =	vst v0  }
0xa1: {  	v0 =	vld [tilespmem:s22+$0xFFFFFF20];
	_ =	sdelay $0x4  }
0xa2: {  	v1 =	vand.u32 $0xFFFF, v0;
	v0 =	vshrl.u32 v0, $0x10  }
0xa3: {  	[tilespmem:$0x2810] =	vst v1  }
0xa4: {  	[tilespmem:$0x2910] =	vst v0  }
0xa5: {  	v0 =	vld [tilespmem:s22+$0xFFFFFF30];
	_ =	sdelay $0x4  }
0xa6: {  	v1 =	vand.u32 $0xFFFF, v0;
	v0 =	vshrl.u32 v0, $0x10  }
0xa7: {  	[tilespmem:$0x2820] =	vst v1  }
0xa8: {  	[tilespmem:$0x2920] =	vst v0  }
0xa9: {  	v0 =	vld [tilespmem:s22+$0xFFFFFF40];
	_ =	sdelay $0x4  }
0xaa: {  	v1 =	vand.u32 $0xFFFF, v0;
	v0 =	vshrl.u32 v0, $0x10  }
0xab: {  	[tilespmem:$0x2830] =	vst v1  }
0xac: {  	[tilespmem:$0x2930] =	vst v0  }
0xad: {  	v0 =	vld [tilespmem:s22+$0xFFFFFF50];
	_ =	sdelay $0x4  }
0xae: {  	v1 =	vand.u32 $0xFFFF, v0;
	v0 =	vshrl.u32 v0, $0x10  }
0xaf: {  	[tilespmem:$0x2840] =	vst v1  }
0xb0: {  	[tilespmem:$0x2940] =	vst v0  }
0xb1: {  	v0 =	vld [tilespmem:s22+$0xFFFFFF60];
	_ =	sdelay $0x4  }
0xb2: {  	v1 =	vand.u32 $0xFFFF, v0;
	v0 =	vshrl.u32 v0, $0x10  }
0xb3: {  	[tilespmem:$0x2850] =	vst v1  }
0xb4: {  	[tilespmem:$0x2950] =	vst v0  }
0xb5: {  	v0 =	vld [tilespmem:s22+$0xFFFFFF70];
	_ =	sdelay $0x4  }
0xb6: {  	v1 =	vand.u32 $0xFFFF, v0;
	v0 =	vshrl.u32 v0, $0x10  }
0xb7: {  	[tilespmem:$0x2860] =	vst v1  }
0xb8: {  	[tilespmem:$0x2960] =	vst v0  }
0xb9: {  	v0 =	vld [tilespmem:s22+$0xFFFFFF80];
	_ =	sdelay $0x4  }
0xba: {  	v1 =	vand.u32 $0xFFFF, v0;
	v0 =	vshrl.u32 v0, $0x10  }
0xbb: {  	[tilespmem:$0x2870] =	vst v1  }
0xbc: {  	[tilespmem:$0x2970] =	vst v0  }
0xbd: {  	[tilespmem:s14], [sflag:$0x1] =	stream.indirect.gather [hbm4b:s1+s12], $0x80, s13, s12, $0xb8;
	[tilespmem:$0x1E600] =	vst v63  }
0xbe: {  	_ =	swait.ge [sflag:s19], $0x4000  }
0xbf: {  	[sflag:s19] =	ssyncset.done $0x0  }
0xc0: {  	[sflag:s19] =	ssyncadd.s32 $0xFFFFC000  }
0xc1: {  	[spmem:s3] =	stream.indirect.scatter.add.f32 [tilespmem:s16], [sflag:$0x3], $0x80, s20, s12, $0xb8;
	[tilespmem:$0x1E600] =	vst v63  }
0xc2: {  	_ =	swait.ge [sflag:s11], $0x4000  }
0xc3: {  	[sflag:s11] =	ssyncset.done $0x0  }
0xc4: {  	[sflag:s11] =	ssyncadd.s32 $0xFFFFC000  }
0xc5: {  	v0 =	vld [tilespmem:s22+$0xFFFFFF90];
	_ =	sdelay $0x4  }
0xc6: {  	v1 =	vand.u32 $0xFFFF, v0;
	v0 =	vshrl.u32 v0, $0x10  }
0xc7: {  	[tilespmem:$0x2880] =	vst v1  }
0xc8: {  	[tilespmem:$0x2980] =	vst v0  }
0xc9: {  	v0 =	vld [tilespmem:s22+$0xFFFFFFA0];
	_ =	sdelay $0x4  }
0xca: {  	v1 =	vand.u32 $0xFFFF, v0;
	v0 =	vshrl.u32 v0, $0x10  }
0xcb: {  	[tilespmem:$0x2890] =	vst v1  }
0xcc: {  	[tilespmem:$0x2990] =	vst v0  }
0xcd: {  	v0 =	vld [tilespmem:s22+$0xFFFFFFB0];
	_ =	sdelay $0x4  }
0xce: {  	v1 =	vand.u32 $0xFFFF, v0;
	v0 =	vshrl.u32 v0, $0x10  }
0xcf: {  	[tilespmem:$0x28A0] =	vst v1  }
0xd0: {  	[tilespmem:$0x29A0] =	vst v0  }
0xd1: {  	v0 =	vld [tilespmem:s22+$0xFFFFFFC0];
	_ =	sdelay $0x4  }
0xd2: {  	v1 =	vand.u32 $0xFFFF, v0;
	v0 =	vshrl.u32 v0, $0x10  }
0xd3: {  	[tilespmem:$0x28B0] =	vst v1  }
0xd4: {  	[tilespmem:$0x29B0] =	vst v0  }
0xd5: {  	v0 =	vld [tilespmem:s22+$0xFFFFFFD0];
	_ =	sdelay $0x4  }
0xd6: {  	v1 =	vand.u32 $0xFFFF, v0;
	v0 =	vshrl.u32 v0, $0x10  }
0xd7: {  	[tilespmem:$0x28C0] =	vst v1  }
0xd8: {  	[tilespmem:$0x29C0] =	vst v0  }
0xd9: {  	v0 =	vld [tilespmem:s22+$0xFFFFFFE0];
	_ =	sdelay $0x4  }
0xda: {  	v1 =	vand.u32 $0xFFFF, v0;
	v0 =	vshrl.u32 v0, $0x10  }
0xdb: {  	[tilespmem:$0x28D0] =	vst v1  }
0xdc: {  	[tilespmem:$0x29D0] =	vst v0  }
0xdd: {  	v0 =	vld [tilespmem:s22+$0xFFFFFFF0];
	_ =	sdelay $0x1  }
.Ltmp0:
0xde: {  	(pc) =	sbr.rel @p0 .LBB2_2-.Ltmp0, $3  }
0xdf: {  	_ =	sdelay $0x1  }
0xe0: {  	v1 =	vand.u32 $0xFFFF, v0;
	v0 =	vshrl.u32 v0, $0x10  }
0xe1: {  	[tilespmem:$0x28E0] =	vst v1  }
0xe2: {  	[tilespmem:$0x29E0] =	vst v0  }
0xe3: {  	v0 =	vld [tilespmem:s22+$0x0];
	_ =	sdelay $0x4  }
0xe4: {  	v1 =	vand.u32 $0xFFFF, v0  }
0xe5: {  	v0 =	vshrl.u32 v0, $0x10;
	[tilespmem:$0x28F0] =	vst v1  }
0xe6: {  	[tilespmem:$0x29F0] =	vst v0  }
0xe7: {  	[tilespmem:s16], [sflag:$0x2] =	stream.indirect.gather [hbm4b:s1+s12], $0x80, s15, s12, $0xb8;
	[tilespmem:$0x1E600] =	vst v63  }
0xe8: {  	_ =	swait.ge [sflag:s17], $0x4000  }
0xe9: {  	[sflag:s17] =	ssyncset.done $0x0  }
0xea: {  	[sflag:s17] =	ssyncadd.s32 $0xFFFFC000  }
0xeb: {  	[spmem:s3] =	stream.indirect.scatter.add.f32 [tilespmem:s14], [sflag:$0x3], $0x80, s18, s12, $0xb8;
	[tilespmem:$0x1E600] =	vst v63  }
0xec: {  	_ =	swait.ge [sflag:s11], $0x4000  }
0xed: {  	[sflag:s11] =	ssyncset.done $0x0  }
0xee: {  	[sflag:s11] =	ssyncadd.s32 $0xFFFFC000  }
0xef: {  	_ =	swait.ge [sflag:s19], $0x4000  }
0xf0: {  	[sflag:s19] =	ssyncset.done $0x0  }
0xf1: {  	[sflag:s19] =	ssyncadd.s32 $0xFFFFC000  }
0xf2: {  	[spmem:s3] =	stream.indirect.scatter.add.f32 [tilespmem:s16], [sflag:$0x3], $0x80, s20, s12, $0xb8;
	[tilespmem:$0x1E600] =	vst v63  }
0xf3: {  	_ =	swait.ge [sflag:s11], $0x4000  }
0xf4: {  	s21 =	sadd.s32 $0x1, s21;
	[sflag:s11] =	ssyncset.done $0x0  }
0xf5: {  	p0 =	sne.s32 s21, s9;
	[sflag:s11] =	ssyncadd.s32 $0xFFFFC000  }
.Ltmp1:
0xf6: {  	[bflag:$0x0] =	sbarrier.arrive $0xFFFF;
	(pc) =	sbr.rel @p0 .LBB2_1-.Ltmp1, $4  }
0xf7: {  	[hbm:s8], [sflag:s6] =	dma.local [spmem:s10], $0x2780  }
0xf8: {  	_ =	swait.ge [sflag:s11], $0x2780  }
0xf9: {  	[sflag:s11] =	ssyncset.done $0x0  }
0xfa: {  	[sflag:s11] =	ssyncadd.s32 $0xFFFFD880  }
0xfb: {  	_ =	sfence.sel $0x180000  }
0xfc: {  	[bflag:$0x0] =	sbarrier.arrive $0xFFFF  }
0xfd: {  	p0 =	sne.s32 s0, $0x0;
	_ =	strace $0x90000047  }
0xfe: {  	s0 =	sadd.s32 @!p0 $0x100000, s2;
	[bflag:$0x2] =	sbarrier.arrive $0xFFFF  }
0xff: {  	[sflag:s0] =	ssyncadd.tile.s32 @!p0 $0x1;
	_ =	shalt  }
.Lfunc_end2:
_tile_overlayer_lowered:
.L_overlay_start_2:
0x100: {  	(tag) =	ssettag $0x2  }
0x101: {  	s0 =	rddreg [dreg:$0x0];
	s2 =	stileid.u32  }
0x102: {  	s1 =	rddreg [dreg:$0x1];
	p0 =	sne.s32 s2, $0x0  }
0x103: {  	s3 =	rddreg [dreg:$0x2];
	[bflag:$0x3] =	sbarrier.arrive $0xFFFF;
	s2 =	simm.s32 @!p0 $0x1C03  }
0x104: {  	[timem:s3], [sflag:s2] =	dma.local @!p0 [hbm:s0], s1  }
0x105: {  	s0 =	simm.s32 @!p0 $0x3  }
0x106: {  	_ =	swait.ge @!p0 [sflag:s0], s1  }
0x107: {  	s1 =	ssub.s32 @!p0 $0x0, s1;
	[sflag:s0] =	ssyncset.done @!p0 $0x0  }
0x108: {  	[sflag:s0] =	ssyncadd.s32 @!p0 s1  }
0x109: {  	[bflag:$0x3] =	sbarrier.arrive $0xFFFF  }
0x10a: {  	_ =	shalt  }

</sc_bundles>
